<compile_context>
chip_gen: v7x
topology: tpu7x:2x2x1
jax: 0.10.2.dev20260603
libtpu: 0.0.44.dev20260713+nightly
codegen_flags: <defaults>
</compile_context>

<pallas_src>
import functools

import jax
import jax.numpy as jnp
from jax import lax
from jax.experimental import pallas as pl
from jax.experimental.pallas import tpu as pltpu
from jax.experimental.pallas import tpu_sc as plsc

N = 160000
B = 8
M = 500
D = 8
NSUB = 16
CHUNK = N // NSUB
MP = 512
NCH = M // 16
TAIL = M - 16
DG = 4


def _body(output_hbm, bidx_hbm, pk_hbm, tgt_hbm, out_hbm,
          bi_v, cnt_v, all_v, starts_v, pk_v, tgt_v,
          row_v, pred_v, part_v, acc_v, out_stage,
          sall_sh, sacc_sh, sem, sem_pk, sem_tgt):
    w = lax.axis_index("s")
    iota = lax.iota(jnp.int32, 16)
    b = w >> 1
    h = w & 1

    tgt_cp = pltpu.async_copy(tgt_hbm.at[b, pl.ds(DG * M * h, DG * M)],
                              tgt_v, sem_tgt)
    pk_cp = pltpu.async_copy(pk_hbm.at[b], pk_v, sem_pk)

    pltpu.sync_copy(bidx_hbm.at[pl.ds(w * CHUNK, CHUNK)], bi_v)
    pos = jnp.zeros((16,), jnp.int32)
    step = 8192
    while step:
        npos = pos + step
        probe = jnp.minimum(npos, CHUNK) - 1
        v = plsc.load_gather(bi_v, [probe])
        take = (npos <= CHUNK) & (v < iota)
        pos = jnp.where(take, npos, pos)
        step >>= 1
    cnt_v[...] = pos
    pltpu.sync_copy(cnt_v, sall_sh.at[w])
    plsc.subcore_barrier()
    pltpu.sync_copy(sall_sh, all_v)

    def _sum_starts(r, a):
        return a + all_v[r]

    starts_v[...] = lax.fori_loop(1, NSUB, _sum_starts, all_v[0])

    pk_cp.wait()
    start_b = plsc.load_gather(starts_v, [jnp.full((16,), 0, jnp.int32) + b])

    def _rows(k, a):
        pk = pk_v[pl.ds(k * 16, 16)]
        iv = (pk & 0xFFFFF) + start_b
        row_v[pl.ds(k * 16, 16)] = jnp.minimum(jnp.maximum(iv, 0), N - 1)
        return a + (pk >> 20).astype(jnp.float32)

    accn = lax.fori_loop(0, MP // 16, _rows, jnp.zeros((16,), jnp.float32))
    accn = jnp.where(h == 0, accn, 0.0)

    for dd in range(DG):
        d_off = (DG * h + dd) << 7

        def _gather(kc, a, _dd=dd, _d_off=d_off):
            r16 = row_v[pl.ds(kc * 16, 16)]
            fidx = ((r16 >> 7) << 10) + _d_off + (r16 & 127)
            pltpu.async_copy(output_hbm.at[fidx],
                             pred_v.at[pl.ds(_dd * MP + kc * 16, 16)], sem)
            return a

        lax.fori_loop(0, NCH, _gather, 0)
        r16 = row_v[pl.ds(TAIL, 16)]
        fidx = ((r16 >> 7) << 10) + d_off + (r16 & 127)
        pltpu.async_copy(output_hbm.at[fidx],
                         pred_v.at[pl.ds(dd * MP + 496, 16)], sem)

    tgt_cp.wait()
    for _ in range(DG):
        pltpu.make_async_copy(output_hbm.at[pl.ds(0, (NCH + 1) * 16)],
                              pred_v.at[pl.ds(0, (NCH + 1) * 16)],
                              sem).wait()

    wtail = jnp.where(iota < 12, 0.0, 1.0)
    part = jnp.zeros((16,), jnp.float32)
    for dd in range(DG):
        def _loss(kc, a, _dd=dd):
            p = pred_v[pl.ds(_dd * MP + kc * 16, 16)]
            t = tgt_v[pl.ds(_dd * M + kc * 16, 16)]
            mk = (pk_v[pl.ds(kc * 16, 16)] >> 20).astype(jnp.float32)
            m = mk * jnp.where(t != t, 0.0, 1.0)
            return a + jnp.abs(p * m - t * m)

        acc_d = lax.fori_loop(0, NCH, _loss, jnp.zeros((16,), jnp.float32))
        p = pred_v[pl.ds(dd * MP + 496, 16)]
        t = tgt_v[pl.ds(dd * M + TAIL, 16)]
        mk = (pk_v[pl.ds(TAIL, 16)] >> 20).astype(jnp.float32)
        m = wtail * mk * jnp.where(t != t, 0.0, 1.0)
        acc_d = acc_d + jnp.abs(p * m - t * m)
        part = part + jnp.where(iota == (DG * h + dd), jnp.sum(acc_d), 0.0)

    part_v[0] = part
    part_v[1] = accn
    pltpu.sync_copy(part_v, sacc_sh.at[w])
    plsc.subcore_barrier()

    @pl.when(w == 0)
    def _():
        pltpu.sync_copy(sacc_sh, acc_v)

        def _comb(r, la_na):
            la, na = la_na
            return la + acc_v[r, 0], na + acc_v[r, 1]

        lacc, nacc = lax.fori_loop(1, NSUB, _comb, (acc_v[0, 0], acc_v[0, 1]))
        num = jnp.maximum(jnp.sum(nacc), 1.0)
        out_stage[...] = lacc / num
        pltpu.sync_copy(out_stage.at[pl.ds(0, D)], out_hbm)


_call = functools.partial(
    pl.kernel,
    out_type=jax.ShapeDtypeStruct((D,), jnp.float32),
    mesh=plsc.VectorSubcoreMesh(core_axis_name="c", subcore_axis_name="s",
                                num_cores=1),
    compiler_params=pltpu.CompilerParams(needs_layout_passes=False,
                                         use_tc_tiling_on_sc=False,
                                         skip_device_barrier=True),
    scratch_types=[
        pltpu.VMEM((CHUNK,), jnp.int32),
        pltpu.VMEM((16,), jnp.int32),
        pltpu.VMEM((NSUB, 16), jnp.int32),
        pltpu.VMEM((16,), jnp.int32),
        pltpu.VMEM((MP,), jnp.int32),
        pltpu.VMEM((DG * M,), jnp.float32),
        pltpu.VMEM((MP,), jnp.int32),
        pltpu.VMEM((DG * MP,), jnp.float32),
        pltpu.VMEM((2, 16), jnp.float32),
        pltpu.VMEM((NSUB, 2, 16), jnp.float32),
        pltpu.VMEM((16,), jnp.float32),
        pltpu.VMEM_SHARED((NSUB, 16), jnp.int32),
        pltpu.VMEM_SHARED((NSUB, 2, 16), jnp.float32),
        pltpu.SemaphoreType.DMA,
        pltpu.SemaphoreType.DMA,
        pltpu.SemaphoreType.DMA,
    ],
)(_body)


def kernel(output, mask, ind, target, batch_index):
    bidx = batch_index.astype(jnp.int32)
    out_lin = output.T.reshape(D, N // 128, 128).transpose(1, 0, 2).reshape(-1)
    packed = ind.astype(jnp.int32) | (mask.astype(jnp.int32) << 20)
    pk8 = jnp.pad(packed, ((0, 0), (0, MP - M)))
    tgt_t = target.transpose(0, 2, 1).reshape(B, D * M)
    return _call(out_lin, bidx, pk8, tgt_t)

# --- scband reference (transcript-rebuilt; emitter-appended) ---
"""Pipeline reference for scband-reg-loss-sparse-7370163880457 (READ-ONLY COPY).

The authoritative reference and input builder live on the scoring server;
editing this copy changes nothing except your own understanding.
"""

import jax, jax.numpy as jnp
import numpy as np


def setup_inputs(seed: int = 0) -> dict:
    key = jax.random.key(seed)
    k1, k2, k3, k4, k5 = jax.random.split(key, 5)
    N, B, M, D = 160000, 8, 500, 8
    output = jax.random.normal(k1, (N, D), dtype=jnp.float32)
    mask = jax.random.randint(k2, (B, M), 0, 2).astype(bool)
    ind = jax.random.randint(k3, (B, M), 0, 16000).astype(jnp.int64)
    target = jax.random.normal(k4, (B, M, D), dtype=jnp.float32)
    batch_index = jnp.sort(jax.random.randint(k5, (N,), 0, B)).astype(jnp.int64)
    return {"output": output, "mask": mask, "ind": ind, "target": target, "batch_index": batch_index}


def reference(output, mask, ind, target, batch_index):
    B = mask.shape[0]
    # batch_index is sorted; start offset of each batch segment
    starts = jnp.searchsorted(batch_index, jnp.arange(B))
    # pred[bs, j] = output[batch_index == bs][ind[bs, j]]
    gather_idx = starts[:, None] + ind  # (B, M)
    pred = jnp.take(output, gather_idx, axis=0)  # (B, M, D)

    # _reg_loss
    num = mask.astype(jnp.float32).sum()
    m = jnp.broadcast_to(mask[:, :, None].astype(jnp.float32), target.shape)
    isnotnan = (~jnp.isnan(target)).astype(jnp.float32)
    m = m * isnotnan
    regr = pred * m
    gt_regr = target * m
    loss = jnp.abs(regr - gt_regr)
    loss = jnp.transpose(loss, (2, 1, 0))  # (D, M, B)
    loss = jnp.sum(loss, axis=2)
    loss = jnp.sum(loss, axis=1)
    loss = loss / jnp.maximum(num, 1.0)
    return loss

if __name__ == "__main__":
    import jax
    _d = setup_inputs()
    print(jax.jit(kernel)(*tuple(_d.values())))

</pallas_src>

<mosaic_0001>
#map = affine_map<(d0, d1) -> (0)>
#map1 = affine_map<(d0, d1) -> (0, 0)>
module attributes {stable_mosaic.version = 14 : i64} {
  func.func @_body(%arg0: i32, %arg1: i32, %arg2: memref<1280000xf32, #tpu.memory_space<hbm>>, %arg3: memref<160000xi32, #tpu.memory_space<hbm>>, %arg4: memref<8x512xi32, #tpu.memory_space<hbm>>, %arg5: memref<8x4000xf32, #tpu.memory_space<hbm>>, %arg6: memref<8xf32, #tpu.memory_space<hbm>>, %arg7: memref<10000xi32, #tpu.memory_space<vmem>>, %arg8: memref<16xi32, #tpu.memory_space<vmem>>, %arg9: memref<16x16xi32, #tpu.memory_space<vmem>>, %arg10: memref<16xi32, #tpu.memory_space<vmem>>, %arg11: memref<512xi32, #tpu.memory_space<vmem>>, %arg12: memref<2000xf32, #tpu.memory_space<vmem>>, %arg13: memref<512xi32, #tpu.memory_space<vmem>>, %arg14: memref<2048xf32, #tpu.memory_space<vmem>>, %arg15: memref<2x16xf32, #tpu.memory_space<vmem>>, %arg16: memref<16x2x16xf32, #tpu.memory_space<vmem>>, %arg17: memref<16xf32, #tpu.memory_space<vmem>>, %arg18: memref<16x16xi32, #tpu.memory_space<vmem_shared>>, %arg19: memref<16x2x16xf32, #tpu.memory_space<vmem_shared>>, %arg20: memref<!tpu.dma_semaphore, #tpu.memory_space<semaphore_mem>>, %arg21: memref<!tpu.dma_semaphore, #tpu.memory_space<semaphore_mem>>, %arg22: memref<!tpu.dma_semaphore, #tpu.memory_space<semaphore_mem>>) attributes {dimension_semantics = [#tpu.dimension_semantics<core_parallel>, #tpu.dimension_semantics<subcore_parallel>], iteration_bounds = array<i64: 1, 16>, scalar_prefetch = 0 : i64, scratch_operands = 16 : i64, tpu.core_type = #tpu.core_type<sc_vector_subcore>, window_params = [{transform_indices = #map}, {transform_indices = #map}, {transform_indices = #map1}, {transform_indices = #map1}, {transform_indices = #map}]} {
    %iota3A = tpu.iota {dimensions = array<i32: 0>} : vector<16xi32>
    %shift_right_arithmetic3A = arith.constant 1 : i32
    %shift_right_arithmetic3A_0 = arith.shrsi %arg1, %shift_right_arithmetic3A : i32
    %and3A = arith.constant 1 : i32
    %and3A_1 = arith.andi %arg1, %and3A : i32
    %mul3A = arith.constant 2000 : i32
    %mul3A_2 = arith.muli %mul3A, %and3A_1 : i32
    %dma_start3A = tpu.memref_slice %arg5[%shift_right_arithmetic3A_0, %mul3A_2] : memref<8x4000xf32, #tpu.memory_space<hbm>> -> memref<1x2000xf32, #tpu.memory_space<hbm>>
    %dma_start3A_3 = tpu.memref_squeeze %dma_start3A : memref<1x2000xf32, #tpu.memory_space<hbm>> -> memref<2000xf32, #tpu.memory_space<hbm>>
    %dma_start3A_4 = tpu.memref_slice %arg5[%shift_right_arithmetic3A_0, %mul3A_2] : memref<8x4000xf32, #tpu.memory_space<hbm>> -> memref<1x2000xf32, #tpu.memory_space<hbm>>
    %dma_start3A_5 = tpu.memref_squeeze %dma_start3A_4 : memref<1x2000xf32, #tpu.memory_space<hbm>> -> memref<2000xf32, #tpu.memory_space<hbm>>
    tpu.enqueue_dma source(%dma_start3A_5 : memref<2000xf32, #tpu.memory_space<hbm>>) target(%arg12 : memref<2000xf32, #tpu.memory_space<vmem>>) target_semaphore(%arg22 : memref<!tpu.dma_semaphore, #tpu.memory_space<semaphore_mem>>)
    %dma_start3A_6 = arith.constant 0 : i32
    %dma_start3A_7 = tpu.memref_slice %arg4[%shift_right_arithmetic3A_0, %dma_start3A_6] : memref<8x512xi32, #tpu.memory_space<hbm>> -> memref<1x512xi32, #tpu.memory_space<hbm>>
    %dma_start3A_8 = tpu.memref_squeeze %dma_start3A_7 : memref<1x512xi32, #tpu.memory_space<hbm>> -> memref<512xi32, #tpu.memory_space<hbm>>
    %dma_start3A_9 = arith.constant 0 : i32
    %dma_start3A_10 = tpu.memref_slice %arg4[%shift_right_arithmetic3A_0, %dma_start3A_9] : memref<8x512xi32, #tpu.memory_space<hbm>> -> memref<1x512xi32, #tpu.memory_space<hbm>>
    %dma_start3A_11 = tpu.memref_squeeze %dma_start3A_10 : memref<1x512xi32, #tpu.memory_space<hbm>> -> memref<512xi32, #tpu.memory_space<hbm>>
    tpu.enqueue_dma source(%dma_start3A_11 : memref<512xi32, #tpu.memory_space<hbm>>) target(%arg11 : memref<512xi32, #tpu.memory_space<vmem>>) target_semaphore(%arg21 : memref<!tpu.dma_semaphore, #tpu.memory_space<semaphore_mem>>)
    %mul3A_12 = arith.constant 10000 : i32
    %mul3A_13 = arith.muli %arg1, %mul3A_12 : i32
    "tpu.region"() ({
      %run_scoped3A = tpu.sem_alloc : memref<!tpu.dma_semaphore, #tpu.memory_space<semaphore_mem>>
      %dma_start3A_622 = tpu.memref_slice %arg3[%mul3A_13] : memref<160000xi32, #tpu.memory_space<hbm>> -> memref<10000xi32, #tpu.memory_space<hbm>>
      %dma_start3A_623 = tpu.memref_slice %arg3[%mul3A_13] : memref<160000xi32, #tpu.memory_space<hbm>> -> memref<10000xi32, #tpu.memory_space<hbm>>
      tpu.enqueue_dma source(%dma_start3A_623 : memref<10000xi32, #tpu.memory_space<hbm>>) target(%arg7 : memref<10000xi32, #tpu.memory_space<vmem>>) target_semaphore(%run_scoped3A : memref<!tpu.dma_semaphore, #tpu.memory_space<semaphore_mem>>)
      %dma_wait3A_624 = tpu.memref_slice %arg3[%mul3A_13] : memref<160000xi32, #tpu.memory_space<hbm>> -> memref<10000xi32, #tpu.memory_space<hbm>>
      %dma_wait3A_625 = tpu.memref_slice %arg3[%mul3A_13] : memref<160000xi32, #tpu.memory_space<hbm>> -> memref<10000xi32, #tpu.memory_space<hbm>>
      tpu.wait_dma2 semaphore(%run_scoped3A : memref<!tpu.dma_semaphore, #tpu.memory_space<semaphore_mem>>) src(%dma_wait3A_625 : memref<10000xi32, #tpu.memory_space<hbm>>) dst(%arg7 : memref<10000xi32, #tpu.memory_space<vmem>>)
      tpu.yield
    }) : () -> ()
    %broadcast_in_dim3A = arith.constant 0 : i32
    %broadcast_in_dim3A_14 = vector.broadcast %broadcast_in_dim3A : i32 to vector<16xi32>
    %add3A = arith.constant 8192 : i32
    %add3A_15 = vector.broadcast %add3A : i32 to vector<16xi32>
    %add3A_16 = arith.addi %broadcast_in_dim3A_14, %add3A_15 : vector<16xi32>
    %min3A = arith.constant 10000 : i32
    %min3A_17 = vector.broadcast %min3A : i32 to vector<16xi32>
    %min3A_18 = arith.minsi %add3A_16, %min3A_17 : vector<16xi32>
    %sub3A = arith.constant 1 : i32
    %sub3A_19 = vector.broadcast %sub3A : i32 to vector<16xi32>
    %sub3A_20 = arith.subi %min3A_18, %sub3A_19 : vector<16xi32>
    %gather3A = tpu.vector_load_idx %arg7[%sub3A_20] : memref<10000xi32, #tpu.memory_space<vmem>>[vector<16xi32>], vector<16xi32>,
    %le3A = arith.constant 10000 : i32
    %le3A_21 = vector.broadcast %le3A : i32 to vector<16xi32>
    %le3A_22 = arith.cmpi sle, %add3A_16, %le3A_21 : vector<16xi32>
    %lt3A = arith.cmpi slt, %gather3A, %iota3A : vector<16xi32>
    %and3A_23 = arith.andi %le3A_22, %lt3A : vector<16xi1>
    %select_n3A = arith.select %and3A_23, %add3A_16, %broadcast_in_dim3A_14 : vector<16xi1>, vector<16xi32>
    %add3A_24 = arith.constant 4096 : i32
    %add3A_25 = vector.broadcast %add3A_24 : i32 to vector<16xi32>
    %add3A_26 = arith.addi %select_n3A, %add3A_25 : vector<16xi32>
    %min3A_27 = arith.constant 10000 : i32
    %min3A_28 = vector.broadcast %min3A_27 : i32 to vector<16xi32>
    %min3A_29 = arith.minsi %add3A_26, %min3A_28 : vector<16xi32>
    %sub3A_30 = arith.constant 1 : i32
    %sub3A_31 = vector.broadcast %sub3A_30 : i32 to vector<16xi32>
    %sub3A_32 = arith.subi %min3A_29, %sub3A_31 : vector<16xi32>
    %gather3A_33 = tpu.vector_load_idx %arg7[%sub3A_32] : memref<10000xi32, #tpu.memory_space<vmem>>[vector<16xi32>], vector<16xi32>,
    %le3A_34 = arith.constant 10000 : i32
    %le3A_35 = vector.broadcast %le3A_34 : i32 to vector<16xi32>
    %le3A_36 = arith.cmpi sle, %add3A_26, %le3A_35 : vector<16xi32>
    %lt3A_37 = arith.cmpi slt, %gather3A_33, %iota3A : vector<16xi32>
    %and3A_38 = arith.andi %le3A_36, %lt3A_37 : vector<16xi1>
    %select_n3A_39 = arith.select %and3A_38, %add3A_26, %select_n3A : vector<16xi1>, vector<16xi32>
    %add3A_40 = arith.constant 2048 : i32
    %add3A_41 = vector.broadcast %add3A_40 : i32 to vector<16xi32>
    %add3A_42 = arith.addi %select_n3A_39, %add3A_41 : vector<16xi32>
    %min3A_43 = arith.constant 10000 : i32
    %min3A_44 = vector.broadcast %min3A_43 : i32 to vector<16xi32>
    %min3A_45 = arith.minsi %add3A_42, %min3A_44 : vector<16xi32>
    %sub3A_46 = arith.constant 1 : i32
    %sub3A_47 = vector.broadcast %sub3A_46 : i32 to vector<16xi32>
    %sub3A_48 = arith.subi %min3A_45, %sub3A_47 : vector<16xi32>
    %gather3A_49 = tpu.vector_load_idx %arg7[%sub3A_48] : memref<10000xi32, #tpu.memory_space<vmem>>[vector<16xi32>], vector<16xi32>,
    %le3A_50 = arith.constant 10000 : i32
    %le3A_51 = vector.broadcast %le3A_50 : i32 to vector<16xi32>
    %le3A_52 = arith.cmpi sle, %add3A_42, %le3A_51 : vector<16xi32>
    %lt3A_53 = arith.cmpi slt, %gather3A_49, %iota3A : vector<16xi32>
    %and3A_54 = arith.andi %le3A_52, %lt3A_53 : vector<16xi1>
    %select_n3A_55 = arith.select %and3A_54, %add3A_42, %select_n3A_39 : vector<16xi1>, vector<16xi32>
    %add3A_56 = arith.constant 1024 : i32
    %add3A_57 = vector.broadcast %add3A_56 : i32 to vector<16xi32>
    %add3A_58 = arith.addi %select_n3A_55, %add3A_57 : vector<16xi32>
    %min3A_59 = arith.constant 10000 : i32
    %min3A_60 = vector.broadcast %min3A_59 : i32 to vector<16xi32>
    %min3A_61 = arith.minsi %add3A_58, %min3A_60 : vector<16xi32>
    %sub3A_62 = arith.constant 1 : i32
    %sub3A_63 = vector.broadcast %sub3A_62 : i32 to vector<16xi32>
    %sub3A_64 = arith.subi %min3A_61, %sub3A_63 : vector<16xi32>
    %gather3A_65 = tpu.vector_load_idx %arg7[%sub3A_64] : memref<10000xi32, #tpu.memory_space<vmem>>[vector<16xi32>], vector<16xi32>,
    %le3A_66 = arith.constant 10000 : i32
    %le3A_67 = vector.broadcast %le3A_66 : i32 to vector<16xi32>
    %le3A_68 = arith.cmpi sle, %add3A_58, %le3A_67 : vector<16xi32>
    %lt3A_69 = arith.cmpi slt, %gather3A_65, %iota3A : vector<16xi32>
    %and3A_70 = arith.andi %le3A_68, %lt3A_69 : vector<16xi1>
    %select_n3A_71 = arith.select %and3A_70, %add3A_58, %select_n3A_55 : vector<16xi1>, vector<16xi32>
    %add3A_72 = arith.constant 512 : i32
    %add3A_73 = vector.broadcast %add3A_72 : i32 to vector<16xi32>
    %add3A_74 = arith.addi %select_n3A_71, %add3A_73 : vector<16xi32>
    %min3A_75 = arith.constant 10000 : i32
    %min3A_76 = vector.broadcast %min3A_75 : i32 to vector<16xi32>
    %min3A_77 = arith.minsi %add3A_74, %min3A_76 : vector<16xi32>
    %sub3A_78 = arith.constant 1 : i32
    %sub3A_79 = vector.broadcast %sub3A_78 : i32 to vector<16xi32>
    %sub3A_80 = arith.subi %min3A_77, %sub3A_79 : vector<16xi32>
    %gather3A_81 = tpu.vector_load_idx %arg7[%sub3A_80] : memref<10000xi32, #tpu.memory_space<vmem>>[vector<16xi32>], vector<16xi32>,
    %le3A_82 = arith.constant 10000 : i32
    %le3A_83 = vector.broadcast %le3A_82 : i32 to vector<16xi32>
    %le3A_84 = arith.cmpi sle, %add3A_74, %le3A_83 : vector<16xi32>
    %lt3A_85 = arith.cmpi slt, %gather3A_81, %iota3A : vector<16xi32>
    %and3A_86 = arith.andi %le3A_84, %lt3A_85 : vector<16xi1>
    %select_n3A_87 = arith.select %and3A_86, %add3A_74, %select_n3A_71 : vector<16xi1>, vector<16xi32>
    %add3A_88 = arith.constant 256 : i32
    %add3A_89 = vector.broadcast %add3A_88 : i32 to vector<16xi32>
    %add3A_90 = arith.addi %select_n3A_87, %add3A_89 : vector<16xi32>
    %min3A_91 = arith.constant 10000 : i32
    %min3A_92 = vector.broadcast %min3A_91 : i32 to vector<16xi32>
    %min3A_93 = arith.minsi %add3A_90, %min3A_92 : vector<16xi32>
    %sub3A_94 = arith.constant 1 : i32
    %sub3A_95 = vector.broadcast %sub3A_94 : i32 to vector<16xi32>
    %sub3A_96 = arith.subi %min3A_93, %sub3A_95 : vector<16xi32>
    %gather3A_97 = tpu.vector_load_idx %arg7[%sub3A_96] : memref<10000xi32, #tpu.memory_space<vmem>>[vector<16xi32>], vector<16xi32>,
    %le3A_98 = arith.constant 10000 : i32
    %le3A_99 = vector.broadcast %le3A_98 : i32 to vector<16xi32>
    %le3A_100 = arith.cmpi sle, %add3A_90, %le3A_99 : vector<16xi32>
    %lt3A_101 = arith.cmpi slt, %gather3A_97, %iota3A : vector<16xi32>
    %and3A_102 = arith.andi %le3A_100, %lt3A_101 : vector<16xi1>
    %select_n3A_103 = arith.select %and3A_102, %add3A_90, %select_n3A_87 : vector<16xi1>, vector<16xi32>
    %add3A_104 = arith.constant 128 : i32
    %add3A_105 = vector.broadcast %add3A_104 : i32 to vector<16xi32>
    %add3A_106 = arith.addi %select_n3A_103, %add3A_105 : vector<16xi32>
    %min3A_107 = arith.constant 10000 : i32
    %min3A_108 = vector.broadcast %min3A_107 : i32 to vector<16xi32>
    %min3A_109 = arith.minsi %add3A_106, %min3A_108 : vector<16xi32>
    %sub3A_110 = arith.constant 1 : i32
    %sub3A_111 = vector.broadcast %sub3A_110 : i32 to vector<16xi32>
    %sub3A_112 = arith.subi %min3A_109, %sub3A_111 : vector<16xi32>
    %gather3A_113 = tpu.vector_load_idx %arg7[%sub3A_112] : memref<10000xi32, #tpu.memory_space<vmem>>[vector<16xi32>], vector<16xi32>,
    %le3A_114 = arith.constant 10000 : i32
    %le3A_115 = vector.broadcast %le3A_114 : i32 to vector<16xi32>
    %le3A_116 = arith.cmpi sle, %add3A_106, %le3A_115 : vector<16xi32>
    %lt3A_117 = arith.cmpi slt, %gather3A_113, %iota3A : vector<16xi32>
    %and3A_118 = arith.andi %le3A_116, %lt3A_117 : vector<16xi1>
    %select_n3A_119 = arith.select %and3A_118, %add3A_106, %select_n3A_103 : vector<16xi1>, vector<16xi32>
    %add3A_120 = arith.constant 64 : i32
    %add3A_121 = vector.broadcast %add3A_120 : i32 to vector<16xi32>
    %add3A_122 = arith.addi %select_n3A_119, %add3A_121 : vector<16xi32>
    %min3A_123 = arith.constant 10000 : i32
    %min3A_124 = vector.broadcast %min3A_123 : i32 to vector<16xi32>
    %min3A_125 = arith.minsi %add3A_122, %min3A_124 : vector<16xi32>
    %sub3A_126 = arith.constant 1 : i32
    %sub3A_127 = vector.broadcast %sub3A_126 : i32 to vector<16xi32>
    %sub3A_128 = arith.subi %min3A_125, %sub3A_127 : vector<16xi32>
    %gather3A_129 = tpu.vector_load_idx %arg7[%sub3A_128] : memref<10000xi32, #tpu.memory_space<vmem>>[vector<16xi32>], vector<16xi32>,
    %le3A_130 = arith.constant 10000 : i32
    %le3A_131 = vector.broadcast %le3A_130 : i32 to vector<16xi32>
    %le3A_132 = arith.cmpi sle, %add3A_122, %le3A_131 : vector<16xi32>
    %lt3A_133 = arith.cmpi slt, %gather3A_129, %iota3A : vector<16xi32>
    %and3A_134 = arith.andi %le3A_132, %lt3A_133 : vector<16xi1>
    %select_n3A_135 = arith.select %and3A_134, %add3A_122, %select_n3A_119 : vector<16xi1>, vector<16xi32>
    %add3A_136 = arith.constant 32 : i32
    %add3A_137 = vector.broadcast %add3A_136 : i32 to vector<16xi32>
    %add3A_138 = arith.addi %select_n3A_135, %add3A_137 : vector<16xi32>
    %min3A_139 = arith.constant 10000 : i32
    %min3A_140 = vector.broadcast %min3A_139 : i32 to vector<16xi32>
    %min3A_141 = arith.minsi %add3A_138, %min3A_140 : vector<16xi32>
    %sub3A_142 = arith.constant 1 : i32
    %sub3A_143 = vector.broadcast %sub3A_142 : i32 to vector<16xi32>
    %sub3A_144 = arith.subi %min3A_141, %sub3A_143 : vector<16xi32>
    %gather3A_145 = tpu.vector_load_idx %arg7[%sub3A_144] : memref<10000xi32, #tpu.memory_space<vmem>>[vector<16xi32>], vector<16xi32>,
    %le3A_146 = arith.constant 10000 : i32
    %le3A_147 = vector.broadcast %le3A_146 : i32 to vector<16xi32>
    %le3A_148 = arith.cmpi sle, %add3A_138, %le3A_147 : vector<16xi32>
    %lt3A_149 = arith.cmpi slt, %gather3A_145, %iota3A : vector<16xi32>
    %and3A_150 = arith.andi %le3A_148, %lt3A_149 : vector<16xi1>
    %select_n3A_151 = arith.select %and3A_150, %add3A_138, %select_n3A_135 : vector<16xi1>, vector<16xi32>
    %add3A_152 = arith.constant 16 : i32
    %add3A_153 = vector.broadcast %add3A_152 : i32 to vector<16xi32>
    %add3A_154 = arith.addi %select_n3A_151, %add3A_153 : vector<16xi32>
    %min3A_155 = arith.constant 10000 : i32
    %min3A_156 = vector.broadcast %min3A_155 : i32 to vector<16xi32>
    %min3A_157 = arith.minsi %add3A_154, %min3A_156 : vector<16xi32>
    %sub3A_158 = arith.constant 1 : i32
    %sub3A_159 = vector.broadcast %sub3A_158 : i32 to vector<16xi32>
    %sub3A_160 = arith.subi %min3A_157, %sub3A_159 : vector<16xi32>
    %gather3A_161 = tpu.vector_load_idx %arg7[%sub3A_160] : memref<10000xi32, #tpu.memory_space<vmem>>[vector<16xi32>], vector<16xi32>,
    %le3A_162 = arith.constant 10000 : i32
    %le3A_163 = vector.broadcast %le3A_162 : i32 to vector<16xi32>
    %le3A_164 = arith.cmpi sle, %add3A_154, %le3A_163 : vector<16xi32>
    %lt3A_165 = arith.cmpi slt, %gather3A_161, %iota3A : vector<16xi32>
    %and3A_166 = arith.andi %le3A_164, %lt3A_165 : vector<16xi1>
    %select_n3A_167 = arith.select %and3A_166, %add3A_154, %select_n3A_151 : vector<16xi1>, vector<16xi32>
    %add3A_168 = arith.constant 8 : i32
    %add3A_169 = vector.broadcast %add3A_168 : i32 to vector<16xi32>
    %add3A_170 = arith.addi %select_n3A_167, %add3A_169 : vector<16xi32>
    %min3A_171 = arith.constant 10000 : i32
    %min3A_172 = vector.broadcast %min3A_171 : i32 to vector<16xi32>
    %min3A_173 = arith.minsi %add3A_170, %min3A_172 : vector<16xi32>
    %sub3A_174 = arith.constant 1 : i32
    %sub3A_175 = vector.broadcast %sub3A_174 : i32 to vector<16xi32>
    %sub3A_176 = arith.subi %min3A_173, %sub3A_175 : vector<16xi32>
    %gather3A_177 = tpu.vector_load_idx %arg7[%sub3A_176] : memref<10000xi32, #tpu.memory_space<vmem>>[vector<16xi32>], vector<16xi32>,
    %le3A_178 = arith.constant 10000 : i32
    %le3A_179 = vector.broadcast %le3A_178 : i32 to vector<16xi32>
    %le3A_180 = arith.cmpi sle, %add3A_170, %le3A_179 : vector<16xi32>
    %lt3A_181 = arith.cmpi slt, %gather3A_177, %iota3A : vector<16xi32>
    %and3A_182 = arith.andi %le3A_180, %lt3A_181 : vector<16xi1>
    %select_n3A_183 = arith.select %and3A_182, %add3A_170, %select_n3A_167 : vector<16xi1>, vector<16xi32>
    %add3A_184 = arith.constant 4 : i32
    %add3A_185 = vector.broadcast %add3A_184 : i32 to vector<16xi32>
    %add3A_186 = arith.addi %select_n3A_183, %add3A_185 : vector<16xi32>
    %min3A_187 = arith.constant 10000 : i32
    %min3A_188 = vector.broadcast %min3A_187 : i32 to vector<16xi32>
    %min3A_189 = arith.minsi %add3A_186, %min3A_188 : vector<16xi32>
    %sub3A_190 = arith.constant 1 : i32
    %sub3A_191 = vector.broadcast %sub3A_190 : i32 to vector<16xi32>
    %sub3A_192 = arith.subi %min3A_189, %sub3A_191 : vector<16xi32>
    %gather3A_193 = tpu.vector_load_idx %arg7[%sub3A_192] : memref<10000xi32, #tpu.memory_space<vmem>>[vector<16xi32>], vector<16xi32>,
    %le3A_194 = arith.constant 10000 : i32
    %le3A_195 = vector.broadcast %le3A_194 : i32 to vector<16xi32>
    %le3A_196 = arith.cmpi sle, %add3A_186, %le3A_195 : vector<16xi32>
    %lt3A_197 = arith.cmpi slt, %gather3A_193, %iota3A : vector<16xi32>
    %and3A_198 = arith.andi %le3A_196, %lt3A_197 : vector<16xi1>
    %select_n3A_199 = arith.select %and3A_198, %add3A_186, %select_n3A_183 : vector<16xi1>, vector<16xi32>
    %add3A_200 = arith.constant 2 : i32
    %add3A_201 = vector.broadcast %add3A_200 : i32 to vector<16xi32>
    %add3A_202 = arith.addi %select_n3A_199, %add3A_201 : vector<16xi32>
    %min3A_203 = arith.constant 10000 : i32
    %min3A_204 = vector.broadcast %min3A_203 : i32 to vector<16xi32>
    %min3A_205 = arith.minsi %add3A_202, %min3A_204 : vector<16xi32>
    %sub3A_206 = arith.constant 1 : i32
    %sub3A_207 = vector.broadcast %sub3A_206 : i32 to vector<16xi32>
    %sub3A_208 = arith.subi %min3A_205, %sub3A_207 : vector<16xi32>
    %gather3A_209 = tpu.vector_load_idx %arg7[%sub3A_208] : memref<10000xi32, #tpu.memory_space<vmem>>[vector<16xi32>], vector<16xi32>,
    %le3A_210 = arith.constant 10000 : i32
    %le3A_211 = vector.broadcast %le3A_210 : i32 to vector<16xi32>
    %le3A_212 = arith.cmpi sle, %add3A_202, %le3A_211 : vector<16xi32>
    %lt3A_213 = arith.cmpi slt, %gather3A_209, %iota3A : vector<16xi32>
    %and3A_214 = arith.andi %le3A_212, %lt3A_213 : vector<16xi1>
    %select_n3A_215 = arith.select %and3A_214, %add3A_202, %select_n3A_199 : vector<16xi1>, vector<16xi32>
    %add3A_216 = arith.constant 1 : i32
    %add3A_217 = vector.broadcast %add3A_216 : i32 to vector<16xi32>
    %add3A_218 = arith.addi %select_n3A_215, %add3A_217 : vector<16xi32>
    %min3A_219 = arith.constant 10000 : i32
    %min3A_220 = vector.broadcast %min3A_219 : i32 to vector<16xi32>
    %min3A_221 = arith.minsi %add3A_218, %min3A_220 : vector<16xi32>
    %sub3A_222 = arith.constant 1 : i32
    %sub3A_223 = vector.broadcast %sub3A_222 : i32 to vector<16xi32>
    %sub3A_224 = arith.subi %min3A_221, %sub3A_223 : vector<16xi32>
    %gather3A_225 = tpu.vector_load_idx %arg7[%sub3A_224] : memref<10000xi32, #tpu.memory_space<vmem>>[vector<16xi32>], vector<16xi32>,
    %le3A_226 = arith.constant 10000 : i32
    %le3A_227 = vector.broadcast %le3A_226 : i32 to vector<16xi32>
    %le3A_228 = arith.cmpi sle, %add3A_218, %le3A_227 : vector<16xi32>
    %lt3A_229 = arith.cmpi slt, %gather3A_225, %iota3A : vector<16xi32>
    %and3A_230 = arith.andi %le3A_228, %lt3A_229 : vector<16xi1>
    %select_n3A_231 = arith.select %and3A_230, %add3A_218, %select_n3A_215 : vector<16xi1>, vector<16xi32>
    %swap3A = arith.constant 0 : index
    %swap3A_232 = tpu.vector_load %arg8[%swap3A] {strides = array<i32>} : memref<16xi32, #tpu.memory_space<vmem>>, vector<16xi32>,
    tpu.vector_store %arg8[%swap3A], %select_n3A_231 {strides = array<i32>} : memref<16xi32, #tpu.memory_space<vmem>>, vector<16xi32>,
    "tpu.region"() ({
      %run_scoped3A = tpu.sem_alloc : memref<!tpu.dma_semaphore, #tpu.memory_space<semaphore_mem>>
      %dma_start3A_622 = arith.constant 0 : i32
      %dma_start3A_623 = tpu.memref_slice %arg18[%arg1, %dma_start3A_622] : memref<16x16xi32, #tpu.memory_space<vmem_shared>> -> memref<1x16xi32, #tpu.memory_space<vmem_shared>>
      %dma_start3A_624 = tpu.memref_squeeze %dma_start3A_623 : memref<1x16xi32, #tpu.memory_space<vmem_shared>> -> memref<16xi32, #tpu.memory_space<vmem_shared>>
      %dma_start3A_625 = arith.constant 0 : i32
      %dma_start3A_626 = tpu.memref_slice %arg18[%arg1, %dma_start3A_625] : memref<16x16xi32, #tpu.memory_space<vmem_shared>> -> memref<1x16xi32, #tpu.memory_space<vmem_shared>>
      %dma_start3A_627 = tpu.memref_squeeze %dma_start3A_626 : memref<1x16xi32, #tpu.memory_space<vmem_shared>> -> memref<16xi32, #tpu.memory_space<vmem_shared>>
      tpu.enqueue_dma source(%arg8 : memref<16xi32, #tpu.memory_space<vmem>>) target(%dma_start3A_627 : memref<16xi32, #tpu.memory_space<vmem_shared>>) target_semaphore(%run_scoped3A : memref<!tpu.dma_semaphore, #tpu.memory_space<semaphore_mem>>)
      %dma_wait3A_628 = arith.constant 0 : i32
      %dma_wait3A_629 = tpu.memref_slice %arg18[%arg1, %dma_wait3A_628] : memref<16x16xi32, #tpu.memory_space<vmem_shared>> -> memref<1x16xi32, #tpu.memory_space<vmem_shared>>
      %dma_wait3A_630 = tpu.memref_squeeze %dma_wait3A_629 : memref<1x16xi32, #tpu.memory_space<vmem_shared>> -> memref<16xi32, #tpu.memory_space<vmem_shared>>
      %dma_wait3A_631 = arith.constant 0 : i32
      %dma_wait3A_632 = tpu.memref_slice %arg18[%arg1, %dma_wait3A_631] : memref<16x16xi32, #tpu.memory_space<vmem_shared>> -> memref<1x16xi32, #tpu.memory_space<vmem_shared>>
      %dma_wait3A_633 = tpu.memref_squeeze %dma_wait3A_632 : memref<1x16xi32, #tpu.memory_space<vmem_shared>> -> memref<16xi32, #tpu.memory_space<vmem_shared>>
      tpu.wait_dma2 semaphore(%run_scoped3A : memref<!tpu.dma_semaphore, #tpu.memory_space<semaphore_mem>>) src(%arg8 : memref<16xi32, #tpu.memory_space<vmem>>) dst(%dma_wait3A_633 : memref<16xi32, #tpu.memory_space<vmem_shared>>)
      tpu.yield
    }) : () -> ()
    %barrier3A = arith.constant 0 : index
    tpu.barrier barrier_id(%barrier3A)
    "tpu.region"() ({
      %run_scoped3A = tpu.sem_alloc : memref<!tpu.dma_semaphore, #tpu.memory_space<semaphore_mem>>
      tpu.enqueue_dma source(%arg18 : memref<16x16xi32, #tpu.memory_space<vmem_shared>>) target(%arg9 : memref<16x16xi32, #tpu.memory_space<vmem>>) target_semaphore(%run_scoped3A : memref<!tpu.dma_semaphore, #tpu.memory_space<semaphore_mem>>)
      tpu.wait_dma2 semaphore(%run_scoped3A : memref<!tpu.dma_semaphore, #tpu.memory_space<semaphore_mem>>) src(%arg18 : memref<16x16xi32, #tpu.memory_space<vmem_shared>>) dst(%arg9 : memref<16x16xi32, #tpu.memory_space<vmem>>)
      tpu.yield
    }) : () -> ()
    %get3A = arith.constant 0 : i32
    %get3A_233 = arith.index_cast %get3A : i32 to index
    %get3A_234 = arith.constant 0 : index
    %get3A_235 = tpu.vector_load %arg9[%get3A_233, %get3A_234] {strides = array<i32>} : memref<16x16xi32, #tpu.memory_space<vmem>>, vector<16xi32>,
    %scan3A = arith.constant 1 : i32
    %scan3A_236 = arith.constant 15 : i32
    %scan3A_237 = arith.addi %scan3A, %scan3A_236 : i32
    %scan3A_238 = arith.constant 1 : i32
    %scan3A_239 = scf.for %scan3A_622 = %scan3A to %scan3A_237 step %scan3A_238 iter_args(%scan3A_623 = %get3A_235) -> (vector<16xi32>)  : i32 {
      %get3A_624 = arith.index_cast %scan3A_622 : i32 to index
      %get3A_625 = arith.constant 0 : index
      %get3A_626 = tpu.vector_load %arg9[%get3A_624, %get3A_625] {strides = array<i32>} : memref<16x16xi32, #tpu.memory_space<vmem>>, vector<16xi32>,
      %add3A_627 = arith.addi %scan3A_623, %get3A_626 : vector<16xi32>
      scf.yield %add3A_627 : vector<16xi32>
    }
    %scan3A_240 = arith.constant 15 : i32
    %swap3A_241 = arith.constant 0 : index
    %swap3A_242 = tpu.vector_load %arg10[%swap3A_241] {strides = array<i32>} : memref<16xi32, #tpu.memory_space<vmem>>, vector<16xi32>,
    tpu.vector_store %arg10[%swap3A_241], %scan3A_239 {strides = array<i32>} : memref<16xi32, #tpu.memory_space<vmem>>, vector<16xi32>,
    %dma_wait3A = arith.constant 0 : i32
    %dma_wait3A_243 = tpu.memref_slice %arg4[%shift_right_arithmetic3A_0, %dma_wait3A] : memref<8x512xi32, #tpu.memory_space<hbm>> -> memref<1x512xi32, #tpu.memory_space<hbm>>
    %dma_wait3A_244 = tpu.memref_squeeze %dma_wait3A_243 : memref<1x512xi32, #tpu.memory_space<hbm>> -> memref<512xi32, #tpu.memory_space<hbm>>
    %dma_wait3A_245 = arith.constant 0 : i32
    %dma_wait3A_246 = tpu.memref_slice %arg4[%shift_right_arithmetic3A_0, %dma_wait3A_245] : memref<8x512xi32, #tpu.memory_space<hbm>> -> memref<1x512xi32, #tpu.memory_space<hbm>>
    %dma_wait3A_247 = tpu.memref_squeeze %dma_wait3A_246 : memref<1x512xi32, #tpu.memory_space<hbm>> -> memref<512xi32, #tpu.memory_space<hbm>>
    tpu.wait_dma2 semaphore(%arg21 : memref<!tpu.dma_semaphore, #tpu.memory_space<semaphore_mem>>) src(%dma_wait3A_247 : memref<512xi32, #tpu.memory_space<hbm>>) dst(%arg11 : memref<512xi32, #tpu.memory_space<vmem>>)
    %broadcast_in_dim3A_248 = arith.constant 0 : i32
    %broadcast_in_dim3A_249 = vector.broadcast %broadcast_in_dim3A_248 : i32 to vector<16xi32>
    %add3A_250 = vector.broadcast %shift_right_arithmetic3A_0 : i32 to vector<16xi32>
    %add3A_251 = arith.addi %broadcast_in_dim3A_249, %add3A_250 : vector<16xi32>
    %gather3A_252 = tpu.vector_load_idx %arg10[%add3A_251] : memref<16xi32, #tpu.memory_space<vmem>>[vector<16xi32>], vector<16xi32>,
    %broadcast_in_dim3A_253 = arith.constant 0.000000e+00 : f32
    %broadcast_in_dim3A_254 = vector.broadcast %broadcast_in_dim3A_253 : f32 to vector<16xf32>
    %scan3A_255 = arith.constant 0 : i32
    %scan3A_256 = arith.constant 32 : i32
    %scan3A_257 = arith.addi %scan3A_255, %scan3A_256 : i32
    %scan3A_258 = arith.constant 1 : i32
    %scan3A_259 = scf.for %scan3A_622 = %scan3A_255 to %scan3A_257 step %scan3A_258 iter_args(%scan3A_623 = %broadcast_in_dim3A_254) -> (vector<16xf32>)  : i32 {
      %mul3A_624 = arith.constant 16 : i32
      %mul3A_625 = arith.muli %scan3A_622, %mul3A_624 : i32
      %get3A_626 = arith.index_cast %mul3A_625 : i32 to index
      %get3A_627 = tpu.vector_load %arg11[%get3A_626] {strides = array<i32>} : memref<512xi32, #tpu.memory_space<vmem>>, vector<16xi32>,
      %and3A_628 = arith.constant 1048575 : i32
      %and3A_629 = vector.broadcast %and3A_628 : i32 to vector<16xi32>
      %and3A_630 = arith.andi %get3A_627, %and3A_629 : vector<16xi32>
      %add3A_631 = arith.addi %and3A_630, %gather3A_252 : vector<16xi32>
      %max3A = arith.constant 0 : i32
      %max3A_632 = vector.broadcast %max3A : i32 to vector<16xi32>
      %max3A_633 = arith.maxsi %add3A_631, %max3A_632 : vector<16xi32>
      %min3A_634 = arith.constant 159999 : i32
      %min3A_635 = vector.broadcast %min3A_634 : i32 to vector<16xi32>
      %min3A_636 = arith.minsi %max3A_633, %min3A_635 : vector<16xi32>
      %mul3A_637 = arith.constant 16 : i32
      %mul3A_638 = arith.muli %scan3A_622, %mul3A_637 : i32
      %swap3A_639 = arith.index_cast %mul3A_638 : i32 to index
      %swap3A_640 = tpu.vector_load %arg13[%swap3A_639] {strides = array<i32>} : memref<512xi32, #tpu.memory_space<vmem>>, vector<16xi32>,
      tpu.vector_store %arg13[%swap3A_639], %min3A_636 {strides = array<i32>} : memref<512xi32, #tpu.memory_space<vmem>>, vector<16xi32>,
      %shift_right_arithmetic3A_641 = arith.constant 20 : i32
      %shift_right_arithmetic3A_642 = vector.broadcast %shift_right_arithmetic3A_641 : i32 to vector<16xi32>
      %shift_right_arithmetic3A_643 = arith.shrsi %get3A_627, %shift_right_arithmetic3A_642 : vector<16xi32>
      %convert_element_type3A_644 = arith.sitofp %shift_right_arithmetic3A_643 : vector<16xi32> to vector<16xf32>
      %add3A_645 = arith.addf %scan3A_623, %convert_element_type3A_644 : vector<16xf32>
      scf.yield %add3A_645 : vector<16xf32>
    }
    %scan3A_260 = arith.constant 32 : i32
    %eq3A = arith.constant 0 : i32
    %eq3A_261 = arith.cmpi eq, %and3A_1, %eq3A : i32
    %jit3A = arith.constant 0.000000e+00 : f32
    %broadcast_in_dim3A_262 = vector.broadcast %jit3A : f32 to vector<16xf32>
    %select_n3A_263 = arith.select %eq3A_261, %scan3A_259, %broadcast_in_dim3A_262 : vector<16xf32>
    %mul3A_264 = arith.constant 4 : i32
    %mul3A_265 = arith.muli %mul3A_264, %and3A_1 : i32
    %add3A_266 = arith.constant 0 : i32
    %add3A_267 = arith.addi %mul3A_265, %add3A_266 : i32
    %shift_left3A = arith.constant 7 : i32
    %shift_left3A_268 = arith.shli %add3A_267, %shift_left3A : i32
    %scan3A_269 = arith.constant 0 : i32
    %scan3A_270 = arith.constant 0 : i32
    %scan3A_271 = arith.constant 31 : i32
    %scan3A_272 = arith.addi %scan3A_270, %scan3A_271 : i32
    %scan3A_273 = arith.constant 1 : i32
    scf.for %scan3A_622 = %scan3A_270 to %scan3A_272 step %scan3A_273  : i32 {
      %mul3A_623 = arith.constant 16 : i32
      %mul3A_624 = arith.muli %scan3A_622, %mul3A_623 : i32
      %get3A_625 = arith.index_cast %mul3A_624 : i32 to index
      %get3A_626 = tpu.vector_load %arg13[%get3A_625] {strides = array<i32>} : memref<512xi32, #tpu.memory_space<vmem>>, vector<16xi32>,
      %shift_right_arithmetic3A_627 = arith.constant 7 : i32
      %shift_right_arithmetic3A_628 = vector.broadcast %shift_right_arithmetic3A_627 : i32 to vector<16xi32>
      %shift_right_arithmetic3A_629 = arith.shrsi %get3A_626, %shift_right_arithmetic3A_628 : vector<16xi32>
      %shift_left3A_630 = arith.constant 10 : i32
      %shift_left3A_631 = vector.broadcast %shift_left3A_630 : i32 to vector<16xi32>
      %shift_left3A_632 = arith.shli %shift_right_arithmetic3A_629, %shift_left3A_631 : vector<16xi32>
      %add3A_633 = vector.broadcast %shift_left3A_268 : i32 to vector<16xi32>
      %add3A_634 = arith.addi %shift_left3A_632, %add3A_633 : vector<16xi32>
      %and3A_635 = arith.constant 127 : i32
      %and3A_636 = vector.broadcast %and3A_635 : i32 to vector<16xi32>
      %and3A_637 = arith.andi %get3A_626, %and3A_636 : vector<16xi32>
      %add3A_638 = arith.addi %add3A_634, %and3A_637 : vector<16xi32>
      %mul3A_639 = arith.constant 16 : i32
      %mul3A_640 = arith.muli %scan3A_622, %mul3A_639 : i32
      %add3A_641 = arith.constant 0 : i32
      %add3A_642 = arith.addi %add3A_641, %mul3A_640 : i32
      %dma_start3A_643 = tpu.memref_slice %arg14[%add3A_642] : memref<2048xf32, #tpu.memory_space<vmem>> -> memref<16xf32, #tpu.memory_space<vmem>>
      %dma_start3A_644 = arith.constant 0 : i32
      %dma_start3A_645 = tpu.memref_slice %arg2[%dma_start3A_644] : memref<1280000xf32, #tpu.memory_space<hbm>> -> memref<1280000xf32, #tpu.memory_space<hbm>>
      tpu.enqueue_indirect_dma source(%dma_start3A_645 : memref<1280000xf32, #tpu.memory_space<hbm>>) target(%dma_start3A_643 : memref<16xf32, #tpu.memory_space<vmem>>) offsets(%add3A_638 : vector<16xi32>) semaphore(%arg20 : memref<!tpu.dma_semaphore, #tpu.memory_space<semaphore_mem>>)
    }
    %scan3A_274 = arith.constant 31 : i32
    %get3A_275 = arith.constant 484 : index
    %get3A_276 = tpu.vector_load %arg13[%get3A_275] {strides = array<i32>} : memref<512xi32, #tpu.memory_space<vmem>>, vector<16xi32>,
    %shift_right_arithmetic3A_277 = arith.constant 7 : i32
    %shift_right_arithmetic3A_278 = vector.broadcast %shift_right_arithmetic3A_277 : i32 to vector<16xi32>
    %shift_right_arithmetic3A_279 = arith.shrsi %get3A_276, %shift_right_arithmetic3A_278 : vector<16xi32>
    %shift_left3A_280 = arith.constant 10 : i32
    %shift_left3A_281 = vector.broadcast %shift_left3A_280 : i32 to vector<16xi32>
    %shift_left3A_282 = arith.shli %shift_right_arithmetic3A_279, %shift_left3A_281 : vector<16xi32>
    %add3A_283 = vector.broadcast %shift_left3A_268 : i32 to vector<16xi32>
    %add3A_284 = arith.addi %shift_left3A_282, %add3A_283 : vector<16xi32>
    %and3A_285 = arith.constant 127 : i32
    %and3A_286 = vector.broadcast %and3A_285 : i32 to vector<16xi32>
    %and3A_287 = arith.andi %get3A_276, %and3A_286 : vector<16xi32>
    %add3A_288 = arith.addi %add3A_284, %and3A_287 : vector<16xi32>
    %dma_start3A_289 = arith.constant 496 : i32
    %dma_start3A_290 = tpu.memref_slice %arg14[%dma_start3A_289] : memref<2048xf32, #tpu.memory_space<vmem>> -> memref<16xf32, #tpu.memory_space<vmem>>
    %dma_start3A_291 = arith.constant 0 : i32
    %dma_start3A_292 = tpu.memref_slice %arg2[%dma_start3A_291] : memref<1280000xf32, #tpu.memory_space<hbm>> -> memref<1280000xf32, #tpu.memory_space<hbm>>
    tpu.enqueue_indirect_dma source(%dma_start3A_292 : memref<1280000xf32, #tpu.memory_space<hbm>>) target(%dma_start3A_290 : memref<16xf32, #tpu.memory_space<vmem>>) offsets(%add3A_288 : vector<16xi32>) semaphore(%arg20 : memref<!tpu.dma_semaphore, #tpu.memory_space<semaphore_mem>>)
    %mul3A_293 = arith.constant 4 : i32
    %mul3A_294 = arith.muli %mul3A_293, %and3A_1 : i32
    %add3A_295 = arith.constant 1 : i32
    %add3A_296 = arith.addi %mul3A_294, %add3A_295 : i32
    %shift_left3A_297 = arith.constant 7 : i32
    %shift_left3A_298 = arith.shli %add3A_296, %shift_left3A_297 : i32
    %scan3A_299 = arith.constant 0 : i32
    %scan3A_300 = arith.constant 0 : i32
    %scan3A_301 = arith.constant 31 : i32
    %scan3A_302 = arith.addi %scan3A_300, %scan3A_301 : i32
    %scan3A_303 = arith.constant 1 : i32
    scf.for %scan3A_622 = %scan3A_300 to %scan3A_302 step %scan3A_303  : i32 {
      %mul3A_623 = arith.constant 16 : i32
      %mul3A_624 = arith.muli %scan3A_622, %mul3A_623 : i32
      %get3A_625 = arith.index_cast %mul3A_624 : i32 to index
      %get3A_626 = tpu.vector_load %arg13[%get3A_625] {strides = array<i32>} : memref<512xi32, #tpu.memory_space<vmem>>, vector<16xi32>,
      %shift_right_arithmetic3A_627 = arith.constant 7 : i32
      %shift_right_arithmetic3A_628 = vector.broadcast %shift_right_arithmetic3A_627 : i32 to vector<16xi32>
      %shift_right_arithmetic3A_629 = arith.shrsi %get3A_626, %shift_right_arithmetic3A_628 : vector<16xi32>
      %shift_left3A_630 = arith.constant 10 : i32
      %shift_left3A_631 = vector.broadcast %shift_left3A_630 : i32 to vector<16xi32>
      %shift_left3A_632 = arith.shli %shift_right_arithmetic3A_629, %shift_left3A_631 : vector<16xi32>
      %add3A_633 = vector.broadcast %shift_left3A_298 : i32 to vector<16xi32>
      %add3A_634 = arith.addi %shift_left3A_632, %add3A_633 : vector<16xi32>
      %and3A_635 = arith.constant 127 : i32
      %and3A_636 = vector.broadcast %and3A_635 : i32 to vector<16xi32>
      %and3A_637 = arith.andi %get3A_626, %and3A_636 : vector<16xi32>
      %add3A_638 = arith.addi %add3A_634, %and3A_637 : vector<16xi32>
      %mul3A_639 = arith.constant 16 : i32
      %mul3A_640 = arith.muli %scan3A_622, %mul3A_639 : i32
      %add3A_641 = arith.constant 512 : i32
      %add3A_642 = arith.addi %add3A_641, %mul3A_640 : i32
      %dma_start3A_643 = tpu.memref_slice %arg14[%add3A_642] : memref<2048xf32, #tpu.memory_space<vmem>> -> memref<16xf32, #tpu.memory_space<vmem>>
      %dma_start3A_644 = arith.constant 0 : i32
      %dma_start3A_645 = tpu.memref_slice %arg2[%dma_start3A_644] : memref<1280000xf32, #tpu.memory_space<hbm>> -> memref<1280000xf32, #tpu.memory_space<hbm>>
      tpu.enqueue_indirect_dma source(%dma_start3A_645 : memref<1280000xf32, #tpu.memory_space<hbm>>) target(%dma_start3A_643 : memref<16xf32, #tpu.memory_space<vmem>>) offsets(%add3A_638 : vector<16xi32>) semaphore(%arg20 : memref<!tpu.dma_semaphore, #tpu.memory_space<semaphore_mem>>)
    }
    %scan3A_304 = arith.constant 31 : i32
    %get3A_305 = arith.constant 484 : index
    %get3A_306 = tpu.vector_load %arg13[%get3A_305] {strides = array<i32>} : memref<512xi32, #tpu.memory_space<vmem>>, vector<16xi32>,
    %shift_right_arithmetic3A_307 = arith.constant 7 : i32
    %shift_right_arithmetic3A_308 = vector.broadcast %shift_right_arithmetic3A_307 : i32 to vector<16xi32>
    %shift_right_arithmetic3A_309 = arith.shrsi %get3A_306, %shift_right_arithmetic3A_308 : vector<16xi32>
    %shift_left3A_310 = arith.constant 10 : i32
    %shift_left3A_311 = vector.broadcast %shift_left3A_310 : i32 to vector<16xi32>
    %shift_left3A_312 = arith.shli %shift_right_arithmetic3A_309, %shift_left3A_311 : vector<16xi32>
    %add3A_313 = vector.broadcast %shift_left3A_298 : i32 to vector<16xi32>
    %add3A_314 = arith.addi %shift_left3A_312, %add3A_313 : vector<16xi32>
    %and3A_315 = arith.constant 127 : i32
    %and3A_316 = vector.broadcast %and3A_315 : i32 to vector<16xi32>
    %and3A_317 = arith.andi %get3A_306, %and3A_316 : vector<16xi32>
    %add3A_318 = arith.addi %add3A_314, %and3A_317 : vector<16xi32>
    %dma_start3A_319 = arith.constant 1008 : i32
    %dma_start3A_320 = tpu.memref_slice %arg14[%dma_start3A_319] : memref<2048xf32, #tpu.memory_space<vmem>> -> memref<16xf32, #tpu.memory_space<vmem>>
    %dma_start3A_321 = arith.constant 0 : i32
    %dma_start3A_322 = tpu.memref_slice %arg2[%dma_start3A_321] : memref<1280000xf32, #tpu.memory_space<hbm>> -> memref<1280000xf32, #tpu.memory_space<hbm>>
    tpu.enqueue_indirect_dma source(%dma_start3A_322 : memref<1280000xf32, #tpu.memory_space<hbm>>) target(%dma_start3A_320 : memref<16xf32, #tpu.memory_space<vmem>>) offsets(%add3A_318 : vector<16xi32>) semaphore(%arg20 : memref<!tpu.dma_semaphore, #tpu.memory_space<semaphore_mem>>)
    %mul3A_323 = arith.constant 4 : i32
    %mul3A_324 = arith.muli %mul3A_323, %and3A_1 : i32
    %add3A_325 = arith.constant 2 : i32
    %add3A_326 = arith.addi %mul3A_324, %add3A_325 : i32
    %shift_left3A_327 = arith.constant 7 : i32
    %shift_left3A_328 = arith.shli %add3A_326, %shift_left3A_327 : i32
    %scan3A_329 = arith.constant 0 : i32
    %scan3A_330 = arith.constant 0 : i32
    %scan3A_331 = arith.constant 31 : i32
    %scan3A_332 = arith.addi %scan3A_330, %scan3A_331 : i32
    %scan3A_333 = arith.constant 1 : i32
    scf.for %scan3A_622 = %scan3A_330 to %scan3A_332 step %scan3A_333  : i32 {
      %mul3A_623 = arith.constant 16 : i32
      %mul3A_624 = arith.muli %scan3A_622, %mul3A_623 : i32
      %get3A_625 = arith.index_cast %mul3A_624 : i32 to index
      %get3A_626 = tpu.vector_load %arg13[%get3A_625] {strides = array<i32>} : memref<512xi32, #tpu.memory_space<vmem>>, vector<16xi32>,
      %shift_right_arithmetic3A_627 = arith.constant 7 : i32
      %shift_right_arithmetic3A_628 = vector.broadcast %shift_right_arithmetic3A_627 : i32 to vector<16xi32>
      %shift_right_arithmetic3A_629 = arith.shrsi %get3A_626, %shift_right_arithmetic3A_628 : vector<16xi32>
      %shift_left3A_630 = arith.constant 10 : i32
      %shift_left3A_631 = vector.broadcast %shift_left3A_630 : i32 to vector<16xi32>
      %shift_left3A_632 = arith.shli %shift_right_arithmetic3A_629, %shift_left3A_631 : vector<16xi32>
      %add3A_633 = vector.broadcast %shift_left3A_328 : i32 to vector<16xi32>
      %add3A_634 = arith.addi %shift_left3A_632, %add3A_633 : vector<16xi32>
      %and3A_635 = arith.constant 127 : i32
      %and3A_636 = vector.broadcast %and3A_635 : i32 to vector<16xi32>
      %and3A_637 = arith.andi %get3A_626, %and3A_636 : vector<16xi32>
      %add3A_638 = arith.addi %add3A_634, %and3A_637 : vector<16xi32>
      %mul3A_639 = arith.constant 16 : i32
      %mul3A_640 = arith.muli %scan3A_622, %mul3A_639 : i32
      %add3A_641 = arith.constant 1024 : i32
      %add3A_642 = arith.addi %add3A_641, %mul3A_640 : i32
      %dma_start3A_643 = tpu.memref_slice %arg14[%add3A_642] : memref<2048xf32, #tpu.memory_space<vmem>> -> memref<16xf32, #tpu.memory_space<vmem>>
      %dma_start3A_644 = arith.constant 0 : i32
      %dma_start3A_645 = tpu.memref_slice %arg2[%dma_start3A_644] : memref<1280000xf32, #tpu.memory_space<hbm>> -> memref<1280000xf32, #tpu.memory_space<hbm>>
      tpu.enqueue_indirect_dma source(%dma_start3A_645 : memref<1280000xf32, #tpu.memory_space<hbm>>) target(%dma_start3A_643 : memref<16xf32, #tpu.memory_space<vmem>>) offsets(%add3A_638 : vector<16xi32>) semaphore(%arg20 : memref<!tpu.dma_semaphore, #tpu.memory_space<semaphore_mem>>)
    }
    %scan3A_334 = arith.constant 31 : i32
    %get3A_335 = arith.constant 484 : index
    %get3A_336 = tpu.vector_load %arg13[%get3A_335] {strides = array<i32>} : memref<512xi32, #tpu.memory_space<vmem>>, vector<16xi32>,
    %shift_right_arithmetic3A_337 = arith.constant 7 : i32
    %shift_right_arithmetic3A_338 = vector.broadcast %shift_right_arithmetic3A_337 : i32 to vector<16xi32>
    %shift_right_arithmetic3A_339 = arith.shrsi %get3A_336, %shift_right_arithmetic3A_338 : vector<16xi32>
    %shift_left3A_340 = arith.constant 10 : i32
    %shift_left3A_341 = vector.broadcast %shift_left3A_340 : i32 to vector<16xi32>
    %shift_left3A_342 = arith.shli %shift_right_arithmetic3A_339, %shift_left3A_341 : vector<16xi32>
    %add3A_343 = vector.broadcast %shift_left3A_328 : i32 to vector<16xi32>
    %add3A_344 = arith.addi %shift_left3A_342, %add3A_343 : vector<16xi32>
    %and3A_345 = arith.constant 127 : i32
    %and3A_346 = vector.broadcast %and3A_345 : i32 to vector<16xi32>
    %and3A_347 = arith.andi %get3A_336, %and3A_346 : vector<16xi32>
    %add3A_348 = arith.addi %add3A_344, %and3A_347 : vector<16xi32>
    %dma_start3A_349 = arith.constant 1520 : i32
    %dma_start3A_350 = tpu.memref_slice %arg14[%dma_start3A_349] : memref<2048xf32, #tpu.memory_space<vmem>> -> memref<16xf32, #tpu.memory_space<vmem>>
    %dma_start3A_351 = arith.constant 0 : i32
    %dma_start3A_352 = tpu.memref_slice %arg2[%dma_start3A_351] : memref<1280000xf32, #tpu.memory_space<hbm>> -> memref<1280000xf32, #tpu.memory_space<hbm>>
    tpu.enqueue_indirect_dma source(%dma_start3A_352 : memref<1280000xf32, #tpu.memory_space<hbm>>) target(%dma_start3A_350 : memref<16xf32, #tpu.memory_space<vmem>>) offsets(%add3A_348 : vector<16xi32>) semaphore(%arg20 : memref<!tpu.dma_semaphore, #tpu.memory_space<semaphore_mem>>)
    %mul3A_353 = arith.constant 4 : i32
    %mul3A_354 = arith.muli %mul3A_353, %and3A_1 : i32
    %add3A_355 = arith.constant 3 : i32
    %add3A_356 = arith.addi %mul3A_354, %add3A_355 : i32
    %shift_left3A_357 = arith.constant 7 : i32
    %shift_left3A_358 = arith.shli %add3A_356, %shift_left3A_357 : i32
    %scan3A_359 = arith.constant 0 : i32
    %scan3A_360 = arith.constant 0 : i32
    %scan3A_361 = arith.constant 31 : i32
    %scan3A_362 = arith.addi %scan3A_360, %scan3A_361 : i32
    %scan3A_363 = arith.constant 1 : i32
    scf.for %scan3A_622 = %scan3A_360 to %scan3A_362 step %scan3A_363  : i32 {
      %mul3A_623 = arith.constant 16 : i32
      %mul3A_624 = arith.muli %scan3A_622, %mul3A_623 : i32
      %get3A_625 = arith.index_cast %mul3A_624 : i32 to index
      %get3A_626 = tpu.vector_load %arg13[%get3A_625] {strides = array<i32>} : memref<512xi32, #tpu.memory_space<vmem>>, vector<16xi32>,
      %shift_right_arithmetic3A_627 = arith.constant 7 : i32
      %shift_right_arithmetic3A_628 = vector.broadcast %shift_right_arithmetic3A_627 : i32 to vector<16xi32>
      %shift_right_arithmetic3A_629 = arith.shrsi %get3A_626, %shift_right_arithmetic3A_628 : vector<16xi32>
      %shift_left3A_630 = arith.constant 10 : i32
      %shift_left3A_631 = vector.broadcast %shift_left3A_630 : i32 to vector<16xi32>
      %shift_left3A_632 = arith.shli %shift_right_arithmetic3A_629, %shift_left3A_631 : vector<16xi32>
      %add3A_633 = vector.broadcast %shift_left3A_358 : i32 to vector<16xi32>
      %add3A_634 = arith.addi %shift_left3A_632, %add3A_633 : vector<16xi32>
      %and3A_635 = arith.constant 127 : i32
      %and3A_636 = vector.broadcast %and3A_635 : i32 to vector<16xi32>
      %and3A_637 = arith.andi %get3A_626, %and3A_636 : vector<16xi32>
      %add3A_638 = arith.addi %add3A_634, %and3A_637 : vector<16xi32>
      %mul3A_639 = arith.constant 16 : i32
      %mul3A_640 = arith.muli %scan3A_622, %mul3A_639 : i32
      %add3A_641 = arith.constant 1536 : i32
      %add3A_642 = arith.addi %add3A_641, %mul3A_640 : i32
      %dma_start3A_643 = tpu.memref_slice %arg14[%add3A_642] : memref<2048xf32, #tpu.memory_space<vmem>> -> memref<16xf32, #tpu.memory_space<vmem>>
      %dma_start3A_644 = arith.constant 0 : i32
      %dma_start3A_645 = tpu.memref_slice %arg2[%dma_start3A_644] : memref<1280000xf32, #tpu.memory_space<hbm>> -> memref<1280000xf32, #tpu.memory_space<hbm>>
      tpu.enqueue_indirect_dma source(%dma_start3A_645 : memref<1280000xf32, #tpu.memory_space<hbm>>) target(%dma_start3A_643 : memref<16xf32, #tpu.memory_space<vmem>>) offsets(%add3A_638 : vector<16xi32>) semaphore(%arg20 : memref<!tpu.dma_semaphore, #tpu.memory_space<semaphore_mem>>)
    }
    %scan3A_364 = arith.constant 31 : i32
    %get3A_365 = arith.constant 484 : index
    %get3A_366 = tpu.vector_load %arg13[%get3A_365] {strides = array<i32>} : memref<512xi32, #tpu.memory_space<vmem>>, vector<16xi32>,
    %shift_right_arithmetic3A_367 = arith.constant 7 : i32
    %shift_right_arithmetic3A_368 = vector.broadcast %shift_right_arithmetic3A_367 : i32 to vector<16xi32>
    %shift_right_arithmetic3A_369 = arith.shrsi %get3A_366, %shift_right_arithmetic3A_368 : vector<16xi32>
    %shift_left3A_370 = arith.constant 10 : i32
    %shift_left3A_371 = vector.broadcast %shift_left3A_370 : i32 to vector<16xi32>
    %shift_left3A_372 = arith.shli %shift_right_arithmetic3A_369, %shift_left3A_371 : vector<16xi32>
    %add3A_373 = vector.broadcast %shift_left3A_358 : i32 to vector<16xi32>
    %add3A_374 = arith.addi %shift_left3A_372, %add3A_373 : vector<16xi32>
    %and3A_375 = arith.constant 127 : i32
    %and3A_376 = vector.broadcast %and3A_375 : i32 to vector<16xi32>
    %and3A_377 = arith.andi %get3A_366, %and3A_376 : vector<16xi32>
    %add3A_378 = arith.addi %add3A_374, %and3A_377 : vector<16xi32>
    %dma_start3A_379 = arith.constant 2032 : i32
    %dma_start3A_380 = tpu.memref_slice %arg14[%dma_start3A_379] : memref<2048xf32, #tpu.memory_space<vmem>> -> memref<16xf32, #tpu.memory_space<vmem>>
    %dma_start3A_381 = arith.constant 0 : i32
    %dma_start3A_382 = tpu.memref_slice %arg2[%dma_start3A_381] : memref<1280000xf32, #tpu.memory_space<hbm>> -> memref<1280000xf32, #tpu.memory_space<hbm>>
    tpu.enqueue_indirect_dma source(%dma_start3A_382 : memref<1280000xf32, #tpu.memory_space<hbm>>) target(%dma_start3A_380 : memref<16xf32, #tpu.memory_space<vmem>>) offsets(%add3A_378 : vector<16xi32>) semaphore(%arg20 : memref<!tpu.dma_semaphore, #tpu.memory_space<semaphore_mem>>)
    %dma_wait3A_383 = tpu.memref_slice %arg5[%shift_right_arithmetic3A_0, %mul3A_2] : memref<8x4000xf32, #tpu.memory_space<hbm>> -> memref<1x2000xf32, #tpu.memory_space<hbm>>
    %dma_wait3A_384 = tpu.memref_squeeze %dma_wait3A_383 : memref<1x2000xf32, #tpu.memory_space<hbm>> -> memref<2000xf32, #tpu.memory_space<hbm>>
    %dma_wait3A_385 = tpu.memref_slice %arg5[%shift_right_arithmetic3A_0, %mul3A_2] : memref<8x4000xf32, #tpu.memory_space<hbm>> -> memref<1x2000xf32, #tpu.memory_space<hbm>>
    %dma_wait3A_386 = tpu.memref_squeeze %dma_wait3A_385 : memref<1x2000xf32, #tpu.memory_space<hbm>> -> memref<2000xf32, #tpu.memory_space<hbm>>
    tpu.wait_dma2 semaphore(%arg22 : memref<!tpu.dma_semaphore, #tpu.memory_space<semaphore_mem>>) src(%dma_wait3A_386 : memref<2000xf32, #tpu.memory_space<hbm>>) dst(%arg12 : memref<2000xf32, #tpu.memory_space<vmem>>)
    %dma_wait3A_387 = arith.constant 0 : i32
    %dma_wait3A_388 = tpu.memref_slice %arg14[%dma_wait3A_387] : memref<2048xf32, #tpu.memory_space<vmem>> -> memref<512xf32, #tpu.memory_space<vmem>>
    %dma_wait3A_389 = arith.constant 0 : i32
    %dma_wait3A_390 = tpu.memref_slice %arg2[%dma_wait3A_389] : memref<1280000xf32, #tpu.memory_space<hbm>> -> memref<512xf32, #tpu.memory_space<hbm>>
    %dma_wait3A_391 = arith.constant 0 : i32
    %dma_wait3A_392 = tpu.memref_slice %arg14[%dma_wait3A_391] : memref<2048xf32, #tpu.memory_space<vmem>> -> memref<512xf32, #tpu.memory_space<vmem>>
    %dma_wait3A_393 = arith.constant 0 : i32
    %dma_wait3A_394 = tpu.memref_slice %arg2[%dma_wait3A_393] : memref<1280000xf32, #tpu.memory_space<hbm>> -> memref<512xf32, #tpu.memory_space<hbm>>
    tpu.wait_dma2 semaphore(%arg20 : memref<!tpu.dma_semaphore, #tpu.memory_space<semaphore_mem>>) src(%dma_wait3A_394 : memref<512xf32, #tpu.memory_space<hbm>>) dst(%dma_wait3A_392 : memref<512xf32, #tpu.memory_space<vmem>>)
    %dma_wait3A_395 = arith.constant 0 : i32
    %dma_wait3A_396 = tpu.memref_slice %arg14[%dma_wait3A_395] : memref<2048xf32, #tpu.memory_space<vmem>> -> memref<512xf32, #tpu.memory_space<vmem>>
    %dma_wait3A_397 = arith.constant 0 : i32
    %dma_wait3A_398 = tpu.memref_slice %arg2[%dma_wait3A_397] : memref<1280000xf32, #tpu.memory_space<hbm>> -> memref<512xf32, #tpu.memory_space<hbm>>
    %dma_wait3A_399 = arith.constant 0 : i32
    %dma_wait3A_400 = tpu.memref_slice %arg14[%dma_wait3A_399] : memref<2048xf32, #tpu.memory_space<vmem>> -> memref<512xf32, #tpu.memory_space<vmem>>
    %dma_wait3A_401 = arith.constant 0 : i32
    %dma_wait3A_402 = tpu.memref_slice %arg2[%dma_wait3A_401] : memref<1280000xf32, #tpu.memory_space<hbm>> -> memref<512xf32, #tpu.memory_space<hbm>>
    tpu.wait_dma2 semaphore(%arg20 : memref<!tpu.dma_semaphore, #tpu.memory_space<semaphore_mem>>) src(%dma_wait3A_402 : memref<512xf32, #tpu.memory_space<hbm>>) dst(%dma_wait3A_400 : memref<512xf32, #tpu.memory_space<vmem>>)
    %dma_wait3A_403 = arith.constant 0 : i32
    %dma_wait3A_404 = tpu.memref_slice %arg14[%dma_wait3A_403] : memref<2048xf32, #tpu.memory_space<vmem>> -> memref<512xf32, #tpu.memory_space<vmem>>
    %dma_wait3A_405 = arith.constant 0 : i32
    %dma_wait3A_406 = tpu.memref_slice %arg2[%dma_wait3A_405] : memref<1280000xf32, #tpu.memory_space<hbm>> -> memref<512xf32, #tpu.memory_space<hbm>>
    %dma_wait3A_407 = arith.constant 0 : i32
    %dma_wait3A_408 = tpu.memref_slice %arg14[%dma_wait3A_407] : memref<2048xf32, #tpu.memory_space<vmem>> -> memref<512xf32, #tpu.memory_space<vmem>>
    %dma_wait3A_409 = arith.constant 0 : i32
    %dma_wait3A_410 = tpu.memref_slice %arg2[%dma_wait3A_409] : memref<1280000xf32, #tpu.memory_space<hbm>> -> memref<512xf32, #tpu.memory_space<hbm>>
    tpu.wait_dma2 semaphore(%arg20 : memref<!tpu.dma_semaphore, #tpu.memory_space<semaphore_mem>>) src(%dma_wait3A_410 : memref<512xf32, #tpu.memory_space<hbm>>) dst(%dma_wait3A_408 : memref<512xf32, #tpu.memory_space<vmem>>)
    %dma_wait3A_411 = arith.constant 0 : i32
    %dma_wait3A_412 = tpu.memref_slice %arg14[%dma_wait3A_411] : memref<2048xf32, #tpu.memory_space<vmem>> -> memref<512xf32, #tpu.memory_space<vmem>>
    %dma_wait3A_413 = arith.constant 0 : i32
    %dma_wait3A_414 = tpu.memref_slice %arg2[%dma_wait3A_413] : memref<1280000xf32, #tpu.memory_space<hbm>> -> memref<512xf32, #tpu.memory_space<hbm>>
    %dma_wait3A_415 = arith.constant 0 : i32
    %dma_wait3A_416 = tpu.memref_slice %arg14[%dma_wait3A_415] : memref<2048xf32, #tpu.memory_space<vmem>> -> memref<512xf32, #tpu.memory_space<vmem>>
    %dma_wait3A_417 = arith.constant 0 : i32
    %dma_wait3A_418 = tpu.memref_slice %arg2[%dma_wait3A_417] : memref<1280000xf32, #tpu.memory_space<hbm>> -> memref<512xf32, #tpu.memory_space<hbm>>
    tpu.wait_dma2 semaphore(%arg20 : memref<!tpu.dma_semaphore, #tpu.memory_space<semaphore_mem>>) src(%dma_wait3A_418 : memref<512xf32, #tpu.memory_space<hbm>>) dst(%dma_wait3A_416 : memref<512xf32, #tpu.memory_space<vmem>>)
    %lt3A_419 = arith.constant 12 : i32
    %lt3A_420 = vector.broadcast %lt3A_419 : i32 to vector<16xi32>
    %lt3A_421 = arith.cmpi slt, %iota3A, %lt3A_420 : vector<16xi32>
    %jit3A_422 = arith.constant 0.000000e+00 : f32
    %jit3A_423 = arith.constant 1.000000e+00 : f32
    %broadcast_in_dim3A_424 = vector.broadcast %jit3A_422 : f32 to vector<16xf32>
    %broadcast_in_dim3A_425 = vector.broadcast %jit3A_423 : f32 to vector<16xf32>
    %select_n3A_426 = arith.select %lt3A_421, %broadcast_in_dim3A_424, %broadcast_in_dim3A_425 : vector<16xi1>, vector<16xf32>
    %broadcast_in_dim3A_427 = arith.constant 0.000000e+00 : f32
    %broadcast_in_dim3A_428 = vector.broadcast %broadcast_in_dim3A_427 : f32 to vector<16xf32>
    %broadcast_in_dim3A_429 = arith.constant 0.000000e+00 : f32
    %broadcast_in_dim3A_430 = vector.broadcast %broadcast_in_dim3A_429 : f32 to vector<16xf32>
    %scan3A_431 = arith.constant 0 : i32
    %scan3A_432 = arith.constant 31 : i32
    %scan3A_433 = arith.addi %scan3A_431, %scan3A_432 : i32
    %scan3A_434 = arith.constant 1 : i32
    %scan3A_435 = scf.for %scan3A_622 = %scan3A_431 to %scan3A_433 step %scan3A_434 iter_args(%scan3A_623 = %broadcast_in_dim3A_430) -> (vector<16xf32>)  : i32 {
      %mul3A_624 = arith.constant 16 : i32
      %mul3A_625 = arith.muli %scan3A_622, %mul3A_624 : i32
      %add3A_626 = arith.constant 0 : i32
      %add3A_627 = arith.addi %add3A_626, %mul3A_625 : i32
      %get3A_628 = arith.index_cast %add3A_627 : i32 to index
      %get3A_629 = tpu.vector_load %arg14[%get3A_628] {strides = array<i32>} : memref<2048xf32, #tpu.memory_space<vmem>>, vector<16xf32>,
      %mul3A_630 = arith.constant 16 : i32
      %mul3A_631 = arith.muli %scan3A_622, %mul3A_630 : i32
      %add3A_632 = arith.constant 0 : i32
      %add3A_633 = arith.addi %add3A_632, %mul3A_631 : i32
      %get3A_634 = arith.index_cast %add3A_633 : i32 to index
      %get3A_635 = tpu.vector_load %arg12[%get3A_634] {strides = array<i32>} : memref<2000xf32, #tpu.memory_space<vmem>>, vector<16xf32>,
      %mul3A_636 = arith.constant 16 : i32
      %mul3A_637 = arith.muli %scan3A_622, %mul3A_636 : i32
      %get3A_638 = arith.index_cast %mul3A_637 : i32 to index
      %get3A_639 = tpu.vector_load %arg11[%get3A_638] {strides = array<i32>} : memref<512xi32, #tpu.memory_space<vmem>>, vector<16xi32>,
      %shift_right_arithmetic3A_640 = arith.constant 20 : i32
      %shift_right_arithmetic3A_641 = vector.broadcast %shift_right_arithmetic3A_640 : i32 to vector<16xi32>
      %shift_right_arithmetic3A_642 = arith.shrsi %get3A_639, %shift_right_arithmetic3A_641 : vector<16xi32>
      %convert_element_type3A_643 = arith.sitofp %shift_right_arithmetic3A_642 : vector<16xi32> to vector<16xf32>
      %ne3A_644 = arith.cmpf one, %get3A_635, %get3A_635 : vector<16xf32>
      %jit3A_645 = arith.constant 0.000000e+00 : f32
      %jit3A_646 = arith.constant 1.000000e+00 : f32
      %broadcast_in_dim3A_647 = vector.broadcast %jit3A_645 : f32 to vector<16xf32>
      %broadcast_in_dim3A_648 = vector.broadcast %jit3A_646 : f32 to vector<16xf32>
      %select_n3A_649 = arith.select %ne3A_644, %broadcast_in_dim3A_647, %broadcast_in_dim3A_648 : vector<16xi1>, vector<16xf32>
      %mul3A_650 = arith.mulf %convert_element_type3A_643, %select_n3A_649 : vector<16xf32>
      %mul3A_651 = arith.mulf %get3A_629, %mul3A_650 : vector<16xf32>
      %mul3A_652 = arith.mulf %get3A_635, %mul3A_650 : vector<16xf32>
      %sub3A_653 = arith.subf %mul3A_651, %mul3A_652 : vector<16xf32>
      %abs3A_654 = math.absf %sub3A_653 : vector<16xf32>
      %add3A_655 = arith.addf %scan3A_623, %abs3A_654 : vector<16xf32>
      scf.yield %add3A_655 : vector<16xf32>
    }
    %scan3A_436 = arith.constant 31 : i32
    %get3A_437 = arith.constant 496 : index
    %get3A_438 = tpu.vector_load %arg14[%get3A_437] {strides = array<i32>} : memref<2048xf32, #tpu.memory_space<vmem>>, vector<16xf32>,
    %get3A_439 = arith.constant 484 : index
    %get3A_440 = tpu.vector_load %arg12[%get3A_439] {strides = array<i32>} : memref<2000xf32, #tpu.memory_space<vmem>>, vector<16xf32>,
    %get3A_441 = arith.constant 484 : index
    %get3A_442 = tpu.vector_load %arg11[%get3A_441] {strides = array<i32>} : memref<512xi32, #tpu.memory_space<vmem>>, vector<16xi32>,
    %shift_right_arithmetic3A_443 = arith.constant 20 : i32
    %shift_right_arithmetic3A_444 = vector.broadcast %shift_right_arithmetic3A_443 : i32 to vector<16xi32>
    %shift_right_arithmetic3A_445 = arith.shrsi %get3A_442, %shift_right_arithmetic3A_444 : vector<16xi32>
    %convert_element_type3A = arith.sitofp %shift_right_arithmetic3A_445 : vector<16xi32> to vector<16xf32>
    %mul3A_446 = arith.mulf %select_n3A_426, %convert_element_type3A : vector<16xf32>
    %ne3A = arith.cmpf one, %get3A_440, %get3A_440 : vector<16xf32>
    %jit3A_447 = arith.constant 0.000000e+00 : f32
    %jit3A_448 = arith.constant 1.000000e+00 : f32
    %broadcast_in_dim3A_449 = vector.broadcast %jit3A_447 : f32 to vector<16xf32>
    %broadcast_in_dim3A_450 = vector.broadcast %jit3A_448 : f32 to vector<16xf32>
    %select_n3A_451 = arith.select %ne3A, %broadcast_in_dim3A_449, %broadcast_in_dim3A_450 : vector<16xi1>, vector<16xf32>
    %mul3A_452 = arith.mulf %mul3A_446, %select_n3A_451 : vector<16xf32>
    %mul3A_453 = arith.mulf %get3A_438, %mul3A_452 : vector<16xf32>
    %mul3A_454 = arith.mulf %get3A_440, %mul3A_452 : vector<16xf32>
    %sub3A_455 = arith.subf %mul3A_453, %mul3A_454 : vector<16xf32>
    %abs3A = math.absf %sub3A_455 : vector<16xf32>
    %add3A_456 = arith.addf %scan3A_435, %abs3A : vector<16xf32>
    %mul3A_457 = arith.constant 4 : i32
    %mul3A_458 = arith.muli %mul3A_457, %and3A_1 : i32
    %add3A_459 = arith.constant 0 : i32
    %add3A_460 = arith.addi %mul3A_458, %add3A_459 : i32
    %eq3A_461 = vector.broadcast %add3A_460 : i32 to vector<16xi32>
    %eq3A_462 = arith.cmpi eq, %iota3A, %eq3A_461 : vector<16xi32>
    %reduce_sum3A = arith.constant true
    %reduce_sum3A_463 = vector.broadcast %reduce_sum3A : i1 to vector<16xi1>
    %reduce_sum3A_464 = tpu.scan <sum>, %add3A_456 masked %reduce_sum3A_463 : vector<16xf32>, vector<16xi1> -> vector<16xf32>
    %reduce_sum3A_465 = vector.extract %reduce_sum3A_464[15] : f32 from vector<16xf32>
    %jit3A_466 = arith.constant 0.000000e+00 : f32
    %broadcast_in_dim3A_467 = vector.broadcast %reduce_sum3A_465 : f32 to vector<16xf32>
    %broadcast_in_dim3A_468 = vector.broadcast %jit3A_466 : f32 to vector<16xf32>
    %select_n3A_469 = arith.select %eq3A_462, %broadcast_in_dim3A_467, %broadcast_in_dim3A_468 : vector<16xi1>, vector<16xf32>
    %add3A_470 = arith.addf %broadcast_in_dim3A_428, %select_n3A_469 : vector<16xf32>
    %broadcast_in_dim3A_471 = arith.constant 0.000000e+00 : f32
    %broadcast_in_dim3A_472 = vector.broadcast %broadcast_in_dim3A_471 : f32 to vector<16xf32>
    %scan3A_473 = arith.constant 0 : i32
    %scan3A_474 = arith.constant 31 : i32
    %scan3A_475 = arith.addi %scan3A_473, %scan3A_474 : i32
    %scan3A_476 = arith.constant 1 : i32
    %scan3A_477 = scf.for %scan3A_622 = %scan3A_473 to %scan3A_475 step %scan3A_476 iter_args(%scan3A_623 = %broadcast_in_dim3A_472) -> (vector<16xf32>)  : i32 {
      %mul3A_624 = arith.constant 16 : i32
      %mul3A_625 = arith.muli %scan3A_622, %mul3A_624 : i32
      %add3A_626 = arith.constant 512 : i32
      %add3A_627 = arith.addi %add3A_626, %mul3A_625 : i32
      %get3A_628 = arith.index_cast %add3A_627 : i32 to index
      %get3A_629 = tpu.vector_load %arg14[%get3A_628] {strides = array<i32>} : memref<2048xf32, #tpu.memory_space<vmem>>, vector<16xf32>,
      %mul3A_630 = arith.constant 16 : i32
      %mul3A_631 = arith.muli %scan3A_622, %mul3A_630 : i32
      %add3A_632 = arith.constant 500 : i32
      %add3A_633 = arith.addi %add3A_632, %mul3A_631 : i32
      %get3A_634 = arith.index_cast %add3A_633 : i32 to index
      %get3A_635 = tpu.vector_load %arg12[%get3A_634] {strides = array<i32>} : memref<2000xf32, #tpu.memory_space<vmem>>, vector<16xf32>,
      %mul3A_636 = arith.constant 16 : i32
      %mul3A_637 = arith.muli %scan3A_622, %mul3A_636 : i32
      %get3A_638 = arith.index_cast %mul3A_637 : i32 to index
      %get3A_639 = tpu.vector_load %arg11[%get3A_638] {strides = array<i32>} : memref<512xi32, #tpu.memory_space<vmem>>, vector<16xi32>,
      %shift_right_arithmetic3A_640 = arith.constant 20 : i32
      %shift_right_arithmetic3A_641 = vector.broadcast %shift_right_arithmetic3A_640 : i32 to vector<16xi32>
      %shift_right_arithmetic3A_642 = arith.shrsi %get3A_639, %shift_right_arithmetic3A_641 : vector<16xi32>
      %convert_element_type3A_643 = arith.sitofp %shift_right_arithmetic3A_642 : vector<16xi32> to vector<16xf32>
      %ne3A_644 = arith.cmpf one, %get3A_635, %get3A_635 : vector<16xf32>
      %jit3A_645 = arith.constant 0.000000e+00 : f32
      %jit3A_646 = arith.constant 1.000000e+00 : f32
      %broadcast_in_dim3A_647 = vector.broadcast %jit3A_645 : f32 to vector<16xf32>
      %broadcast_in_dim3A_648 = vector.broadcast %jit3A_646 : f32 to vector<16xf32>
      %select_n3A_649 = arith.select %ne3A_644, %broadcast_in_dim3A_647, %broadcast_in_dim3A_648 : vector<16xi1>, vector<16xf32>
      %mul3A_650 = arith.mulf %convert_element_type3A_643, %select_n3A_649 : vector<16xf32>
      %mul3A_651 = arith.mulf %get3A_629, %mul3A_650 : vector<16xf32>
      %mul3A_652 = arith.mulf %get3A_635, %mul3A_650 : vector<16xf32>
      %sub3A_653 = arith.subf %mul3A_651, %mul3A_652 : vector<16xf32>
      %abs3A_654 = math.absf %sub3A_653 : vector<16xf32>
      %add3A_655 = arith.addf %scan3A_623, %abs3A_654 : vector<16xf32>
      scf.yield %add3A_655 : vector<16xf32>
    }
    %scan3A_478 = arith.constant 31 : i32
    %get3A_479 = arith.constant 1008 : index
    %get3A_480 = tpu.vector_load %arg14[%get3A_479] {strides = array<i32>} : memref<2048xf32, #tpu.memory_space<vmem>>, vector<16xf32>,
    %get3A_481 = arith.constant 984 : index
    %get3A_482 = tpu.vector_load %arg12[%get3A_481] {strides = array<i32>} : memref<2000xf32, #tpu.memory_space<vmem>>, vector<16xf32>,
    %get3A_483 = arith.constant 484 : index
    %get3A_484 = tpu.vector_load %arg11[%get3A_483] {strides = array<i32>} : memref<512xi32, #tpu.memory_space<vmem>>, vector<16xi32>,
    %shift_right_arithmetic3A_485 = arith.constant 20 : i32
    %shift_right_arithmetic3A_486 = vector.broadcast %shift_right_arithmetic3A_485 : i32 to vector<16xi32>
    %shift_right_arithmetic3A_487 = arith.shrsi %get3A_484, %shift_right_arithmetic3A_486 : vector<16xi32>
    %convert_element_type3A_488 = arith.sitofp %shift_right_arithmetic3A_487 : vector<16xi32> to vector<16xf32>
    %mul3A_489 = arith.mulf %select_n3A_426, %convert_element_type3A_488 : vector<16xf32>
    %ne3A_490 = arith.cmpf one, %get3A_482, %get3A_482 : vector<16xf32>
    %jit3A_491 = arith.constant 0.000000e+00 : f32
    %jit3A_492 = arith.constant 1.000000e+00 : f32
    %broadcast_in_dim3A_493 = vector.broadcast %jit3A_491 : f32 to vector<16xf32>
    %broadcast_in_dim3A_494 = vector.broadcast %jit3A_492 : f32 to vector<16xf32>
    %select_n3A_495 = arith.select %ne3A_490, %broadcast_in_dim3A_493, %broadcast_in_dim3A_494 : vector<16xi1>, vector<16xf32>
    %mul3A_496 = arith.mulf %mul3A_489, %select_n3A_495 : vector<16xf32>
    %mul3A_497 = arith.mulf %get3A_480, %mul3A_496 : vector<16xf32>
    %mul3A_498 = arith.mulf %get3A_482, %mul3A_496 : vector<16xf32>
    %sub3A_499 = arith.subf %mul3A_497, %mul3A_498 : vector<16xf32>
    %abs3A_500 = math.absf %sub3A_499 : vector<16xf32>
    %add3A_501 = arith.addf %scan3A_477, %abs3A_500 : vector<16xf32>
    %mul3A_502 = arith.constant 4 : i32
    %mul3A_503 = arith.muli %mul3A_502, %and3A_1 : i32
    %add3A_504 = arith.constant 1 : i32
    %add3A_505 = arith.addi %mul3A_503, %add3A_504 : i32
    %eq3A_506 = vector.broadcast %add3A_505 : i32 to vector<16xi32>
    %eq3A_507 = arith.cmpi eq, %iota3A, %eq3A_506 : vector<16xi32>
    %reduce_sum3A_508 = arith.constant true
    %reduce_sum3A_509 = vector.broadcast %reduce_sum3A_508 : i1 to vector<16xi1>
    %reduce_sum3A_510 = tpu.scan <sum>, %add3A_501 masked %reduce_sum3A_509 : vector<16xf32>, vector<16xi1> -> vector<16xf32>
    %reduce_sum3A_511 = vector.extract %reduce_sum3A_510[15] : f32 from vector<16xf32>
    %jit3A_512 = arith.constant 0.000000e+00 : f32
    %broadcast_in_dim3A_513 = vector.broadcast %reduce_sum3A_511 : f32 to vector<16xf32>
    %broadcast_in_dim3A_514 = vector.broadcast %jit3A_512 : f32 to vector<16xf32>
    %select_n3A_515 = arith.select %eq3A_507, %broadcast_in_dim3A_513, %broadcast_in_dim3A_514 : vector<16xi1>, vector<16xf32>
    %add3A_516 = arith.addf %add3A_470, %select_n3A_515 : vector<16xf32>
    %broadcast_in_dim3A_517 = arith.constant 0.000000e+00 : f32
    %broadcast_in_dim3A_518 = vector.broadcast %broadcast_in_dim3A_517 : f32 to vector<16xf32>
    %scan3A_519 = arith.constant 0 : i32
    %scan3A_520 = arith.constant 31 : i32
    %scan3A_521 = arith.addi %scan3A_519, %scan3A_520 : i32
    %scan3A_522 = arith.constant 1 : i32
    %scan3A_523 = scf.for %scan3A_622 = %scan3A_519 to %scan3A_521 step %scan3A_522 iter_args(%scan3A_623 = %broadcast_in_dim3A_518) -> (vector<16xf32>)  : i32 {
      %mul3A_624 = arith.constant 16 : i32
      %mul3A_625 = arith.muli %scan3A_622, %mul3A_624 : i32
      %add3A_626 = arith.constant 1024 : i32
      %add3A_627 = arith.addi %add3A_626, %mul3A_625 : i32
      %get3A_628 = arith.index_cast %add3A_627 : i32 to index
      %get3A_629 = tpu.vector_load %arg14[%get3A_628] {strides = array<i32>} : memref<2048xf32, #tpu.memory_space<vmem>>, vector<16xf32>,
      %mul3A_630 = arith.constant 16 : i32
      %mul3A_631 = arith.muli %scan3A_622, %mul3A_630 : i32
      %add3A_632 = arith.constant 1000 : i32
      %add3A_633 = arith.addi %add3A_632, %mul3A_631 : i32
      %get3A_634 = arith.index_cast %add3A_633 : i32 to index
      %get3A_635 = tpu.vector_load %arg12[%get3A_634] {strides = array<i32>} : memref<2000xf32, #tpu.memory_space<vmem>>, vector<16xf32>,
      %mul3A_636 = arith.constant 16 : i32
      %mul3A_637 = arith.muli %scan3A_622, %mul3A_636 : i32
      %get3A_638 = arith.index_cast %mul3A_637 : i32 to index
      %get3A_639 = tpu.vector_load %arg11[%get3A_638] {strides = array<i32>} : memref<512xi32, #tpu.memory_space<vmem>>, vector<16xi32>,
      %shift_right_arithmetic3A_640 = arith.constant 20 : i32
      %shift_right_arithmetic3A_641 = vector.broadcast %shift_right_arithmetic3A_640 : i32 to vector<16xi32>
      %shift_right_arithmetic3A_642 = arith.shrsi %get3A_639, %shift_right_arithmetic3A_641 : vector<16xi32>
      %convert_element_type3A_643 = arith.sitofp %shift_right_arithmetic3A_642 : vector<16xi32> to vector<16xf32>
      %ne3A_644 = arith.cmpf one, %get3A_635, %get3A_635 : vector<16xf32>
      %jit3A_645 = arith.constant 0.000000e+00 : f32
      %jit3A_646 = arith.constant 1.000000e+00 : f32
      %broadcast_in_dim3A_647 = vector.broadcast %jit3A_645 : f32 to vector<16xf32>
      %broadcast_in_dim3A_648 = vector.broadcast %jit3A_646 : f32 to vector<16xf32>
      %select_n3A_649 = arith.select %ne3A_644, %broadcast_in_dim3A_647, %broadcast_in_dim3A_648 : vector<16xi1>, vector<16xf32>
      %mul3A_650 = arith.mulf %convert_element_type3A_643, %select_n3A_649 : vector<16xf32>
      %mul3A_651 = arith.mulf %get3A_629, %mul3A_650 : vector<16xf32>
      %mul3A_652 = arith.mulf %get3A_635, %mul3A_650 : vector<16xf32>
      %sub3A_653 = arith.subf %mul3A_651, %mul3A_652 : vector<16xf32>
      %abs3A_654 = math.absf %sub3A_653 : vector<16xf32>
      %add3A_655 = arith.addf %scan3A_623, %abs3A_654 : vector<16xf32>
      scf.yield %add3A_655 : vector<16xf32>
    }
    %scan3A_524 = arith.constant 31 : i32
    %get3A_525 = arith.constant 1520 : index
    %get3A_526 = tpu.vector_load %arg14[%get3A_525] {strides = array<i32>} : memref<2048xf32, #tpu.memory_space<vmem>>, vector<16xf32>,
    %get3A_527 = arith.constant 1484 : index
    %get3A_528 = tpu.vector_load %arg12[%get3A_527] {strides = array<i32>} : memref<2000xf32, #tpu.memory_space<vmem>>, vector<16xf32>,
    %get3A_529 = arith.constant 484 : index
    %get3A_530 = tpu.vector_load %arg11[%get3A_529] {strides = array<i32>} : memref<512xi32, #tpu.memory_space<vmem>>, vector<16xi32>,
    %shift_right_arithmetic3A_531 = arith.constant 20 : i32
    %shift_right_arithmetic3A_532 = vector.broadcast %shift_right_arithmetic3A_531 : i32 to vector<16xi32>
    %shift_right_arithmetic3A_533 = arith.shrsi %get3A_530, %shift_right_arithmetic3A_532 : vector<16xi32>
    %convert_element_type3A_534 = arith.sitofp %shift_right_arithmetic3A_533 : vector<16xi32> to vector<16xf32>
    %mul3A_535 = arith.mulf %select_n3A_426, %convert_element_type3A_534 : vector<16xf32>
    %ne3A_536 = arith.cmpf one, %get3A_528, %get3A_528 : vector<16xf32>
    %jit3A_537 = arith.constant 0.000000e+00 : f32
    %jit3A_538 = arith.constant 1.000000e+00 : f32
    %broadcast_in_dim3A_539 = vector.broadcast %jit3A_537 : f32 to vector<16xf32>
    %broadcast_in_dim3A_540 = vector.broadcast %jit3A_538 : f32 to vector<16xf32>
    %select_n3A_541 = arith.select %ne3A_536, %broadcast_in_dim3A_539, %broadcast_in_dim3A_540 : vector<16xi1>, vector<16xf32>
    %mul3A_542 = arith.mulf %mul3A_535, %select_n3A_541 : vector<16xf32>
    %mul3A_543 = arith.mulf %get3A_526, %mul3A_542 : vector<16xf32>
    %mul3A_544 = arith.mulf %get3A_528, %mul3A_542 : vector<16xf32>
    %sub3A_545 = arith.subf %mul3A_543, %mul3A_544 : vector<16xf32>
    %abs3A_546 = math.absf %sub3A_545 : vector<16xf32>
    %add3A_547 = arith.addf %scan3A_523, %abs3A_546 : vector<16xf32>
    %mul3A_548 = arith.constant 4 : i32
    %mul3A_549 = arith.muli %mul3A_548, %and3A_1 : i32
    %add3A_550 = arith.constant 2 : i32
    %add3A_551 = arith.addi %mul3A_549, %add3A_550 : i32
    %eq3A_552 = vector.broadcast %add3A_551 : i32 to vector<16xi32>
    %eq3A_553 = arith.cmpi eq, %iota3A, %eq3A_552 : vector<16xi32>
    %reduce_sum3A_554 = arith.constant true
    %reduce_sum3A_555 = vector.broadcast %reduce_sum3A_554 : i1 to vector<16xi1>
    %reduce_sum3A_556 = tpu.scan <sum>, %add3A_547 masked %reduce_sum3A_555 : vector<16xf32>, vector<16xi1> -> vector<16xf32>
    %reduce_sum3A_557 = vector.extract %reduce_sum3A_556[15] : f32 from vector<16xf32>
    %jit3A_558 = arith.constant 0.000000e+00 : f32
    %broadcast_in_dim3A_559 = vector.broadcast %reduce_sum3A_557 : f32 to vector<16xf32>
    %broadcast_in_dim3A_560 = vector.broadcast %jit3A_558 : f32 to vector<16xf32>
    %select_n3A_561 = arith.select %eq3A_553, %broadcast_in_dim3A_559, %broadcast_in_dim3A_560 : vector<16xi1>, vector<16xf32>
    %add3A_562 = arith.addf %add3A_516, %select_n3A_561 : vector<16xf32>
    %broadcast_in_dim3A_563 = arith.constant 0.000000e+00 : f32
    %broadcast_in_dim3A_564 = vector.broadcast %broadcast_in_dim3A_563 : f32 to vector<16xf32>
    %scan3A_565 = arith.constant 0 : i32
    %scan3A_566 = arith.constant 31 : i32
    %scan3A_567 = arith.addi %scan3A_565, %scan3A_566 : i32
    %scan3A_568 = arith.constant 1 : i32
    %scan3A_569 = scf.for %scan3A_622 = %scan3A_565 to %scan3A_567 step %scan3A_568 iter_args(%scan3A_623 = %broadcast_in_dim3A_564) -> (vector<16xf32>)  : i32 {
      %mul3A_624 = arith.constant 16 : i32
      %mul3A_625 = arith.muli %scan3A_622, %mul3A_624 : i32
      %add3A_626 = arith.constant 1536 : i32
      %add3A_627 = arith.addi %add3A_626, %mul3A_625 : i32
      %get3A_628 = arith.index_cast %add3A_627 : i32 to index
      %get3A_629 = tpu.vector_load %arg14[%get3A_628] {strides = array<i32>} : memref<2048xf32, #tpu.memory_space<vmem>>, vector<16xf32>,
      %mul3A_630 = arith.constant 16 : i32
      %mul3A_631 = arith.muli %scan3A_622, %mul3A_630 : i32
      %add3A_632 = arith.constant 1500 : i32
      %add3A_633 = arith.addi %add3A_632, %mul3A_631 : i32
      %get3A_634 = arith.index_cast %add3A_633 : i32 to index
      %get3A_635 = tpu.vector_load %arg12[%get3A_634] {strides = array<i32>} : memref<2000xf32, #tpu.memory_space<vmem>>, vector<16xf32>,
      %mul3A_636 = arith.constant 16 : i32
      %mul3A_637 = arith.muli %scan3A_622, %mul3A_636 : i32
      %get3A_638 = arith.index_cast %mul3A_637 : i32 to index
      %get3A_639 = tpu.vector_load %arg11[%get3A_638] {strides = array<i32>} : memref<512xi32, #tpu.memory_space<vmem>>, vector<16xi32>,
      %shift_right_arithmetic3A_640 = arith.constant 20 : i32
      %shift_right_arithmetic3A_641 = vector.broadcast %shift_right_arithmetic3A_640 : i32 to vector<16xi32>
      %shift_right_arithmetic3A_642 = arith.shrsi %get3A_639, %shift_right_arithmetic3A_641 : vector<16xi32>
      %convert_element_type3A_643 = arith.sitofp %shift_right_arithmetic3A_642 : vector<16xi32> to vector<16xf32>
      %ne3A_644 = arith.cmpf one, %get3A_635, %get3A_635 : vector<16xf32>
      %jit3A_645 = arith.constant 0.000000e+00 : f32
      %jit3A_646 = arith.constant 1.000000e+00 : f32
      %broadcast_in_dim3A_647 = vector.broadcast %jit3A_645 : f32 to vector<16xf32>
      %broadcast_in_dim3A_648 = vector.broadcast %jit3A_646 : f32 to vector<16xf32>
      %select_n3A_649 = arith.select %ne3A_644, %broadcast_in_dim3A_647, %broadcast_in_dim3A_648 : vector<16xi1>, vector<16xf32>
      %mul3A_650 = arith.mulf %convert_element_type3A_643, %select_n3A_649 : vector<16xf32>
      %mul3A_651 = arith.mulf %get3A_629, %mul3A_650 : vector<16xf32>
      %mul3A_652 = arith.mulf %get3A_635, %mul3A_650 : vector<16xf32>
      %sub3A_653 = arith.subf %mul3A_651, %mul3A_652 : vector<16xf32>
      %abs3A_654 = math.absf %sub3A_653 : vector<16xf32>
      %add3A_655 = arith.addf %scan3A_623, %abs3A_654 : vector<16xf32>
      scf.yield %add3A_655 : vector<16xf32>
    }
    %scan3A_570 = arith.constant 31 : i32
    %get3A_571 = arith.constant 2032 : index
    %get3A_572 = tpu.vector_load %arg14[%get3A_571] {strides = array<i32>} : memref<2048xf32, #tpu.memory_space<vmem>>, vector<16xf32>,
    %get3A_573 = arith.constant 1984 : index
    %get3A_574 = tpu.vector_load %arg12[%get3A_573] {strides = array<i32>} : memref<2000xf32, #tpu.memory_space<vmem>>, vector<16xf32>,
    %get3A_575 = arith.constant 484 : index
    %get3A_576 = tpu.vector_load %arg11[%get3A_575] {strides = array<i32>} : memref<512xi32, #tpu.memory_space<vmem>>, vector<16xi32>,
    %shift_right_arithmetic3A_577 = arith.constant 20 : i32
    %shift_right_arithmetic3A_578 = vector.broadcast %shift_right_arithmetic3A_577 : i32 to vector<16xi32>
    %shift_right_arithmetic3A_579 = arith.shrsi %get3A_576, %shift_right_arithmetic3A_578 : vector<16xi32>
    %convert_element_type3A_580 = arith.sitofp %shift_right_arithmetic3A_579 : vector<16xi32> to vector<16xf32>
    %mul3A_581 = arith.mulf %select_n3A_426, %convert_element_type3A_580 : vector<16xf32>
    %ne3A_582 = arith.cmpf one, %get3A_574, %get3A_574 : vector<16xf32>
    %jit3A_583 = arith.constant 0.000000e+00 : f32
    %jit3A_584 = arith.constant 1.000000e+00 : f32
    %broadcast_in_dim3A_585 = vector.broadcast %jit3A_583 : f32 to vector<16xf32>
    %broadcast_in_dim3A_586 = vector.broadcast %jit3A_584 : f32 to vector<16xf32>
    %select_n3A_587 = arith.select %ne3A_582, %broadcast_in_dim3A_585, %broadcast_in_dim3A_586 : vector<16xi1>, vector<16xf32>
    %mul3A_588 = arith.mulf %mul3A_581, %select_n3A_587 : vector<16xf32>
    %mul3A_589 = arith.mulf %get3A_572, %mul3A_588 : vector<16xf32>
    %mul3A_590 = arith.mulf %get3A_574, %mul3A_588 : vector<16xf32>
    %sub3A_591 = arith.subf %mul3A_589, %mul3A_590 : vector<16xf32>
    %abs3A_592 = math.absf %sub3A_591 : vector<16xf32>
    %add3A_593 = arith.addf %scan3A_569, %abs3A_592 : vector<16xf32>
    %mul3A_594 = arith.constant 4 : i32
    %mul3A_595 = arith.muli %mul3A_594, %and3A_1 : i32
    %add3A_596 = arith.constant 3 : i32
    %add3A_597 = arith.addi %mul3A_595, %add3A_596 : i32
    %eq3A_598 = vector.broadcast %add3A_597 : i32 to vector<16xi32>
    %eq3A_599 = arith.cmpi eq, %iota3A, %eq3A_598 : vector<16xi32>
    %reduce_sum3A_600 = arith.constant true
    %reduce_sum3A_601 = vector.broadcast %reduce_sum3A_600 : i1 to vector<16xi1>
    %reduce_sum3A_602 = tpu.scan <sum>, %add3A_593 masked %reduce_sum3A_601 : vector<16xf32>, vector<16xi1> -> vector<16xf32>
    %reduce_sum3A_603 = vector.extract %reduce_sum3A_602[15] : f32 from vector<16xf32>
    %jit3A_604 = arith.constant 0.000000e+00 : f32
    %broadcast_in_dim3A_605 = vector.broadcast %reduce_sum3A_603 : f32 to vector<16xf32>
    %broadcast_in_dim3A_606 = vector.broadcast %jit3A_604 : f32 to vector<16xf32>
    %select_n3A_607 = arith.select %eq3A_599, %broadcast_in_dim3A_605, %broadcast_in_dim3A_606 : vector<16xi1>, vector<16xf32>
    %add3A_608 = arith.addf %add3A_562, %select_n3A_607 : vector<16xf32>
    %swap3A_609 = arith.constant 0 : i32
    %swap3A_610 = arith.index_cast %swap3A_609 : i32 to index
    %swap3A_611 = arith.constant 0 : index
    %swap3A_612 = tpu.vector_load %arg15[%swap3A_610, %swap3A_611] {strides = array<i32>} : memref<2x16xf32, #tpu.memory_space<vmem>>, vector<16xf32>,
    tpu.vector_store %arg15[%swap3A_610, %swap3A_611], %add3A_608 {strides = array<i32>} : memref<2x16xf32, #tpu.memory_space<vmem>>, vector<16xf32>,
    %swap3A_613 = arith.constant 1 : i32
    %swap3A_614 = arith.index_cast %swap3A_613 : i32 to index
    %swap3A_615 = arith.constant 0 : index
    %swap3A_616 = tpu.vector_load %arg15[%swap3A_614, %swap3A_615] {strides = array<i32>} : memref<2x16xf32, #tpu.memory_space<vmem>>, vector<16xf32>,
    tpu.vector_store %arg15[%swap3A_614, %swap3A_615], %select_n3A_263 {strides = array<i32>} : memref<2x16xf32, #tpu.memory_space<vmem>>, vector<16xf32>,
    "tpu.region"() ({
      %run_scoped3A = tpu.sem_alloc : memref<!tpu.dma_semaphore, #tpu.memory_space<semaphore_mem>>
      %dma_start3A_622 = arith.constant 0 : i32
      %dma_start3A_623 = arith.constant 0 : i32
      %dma_start3A_624 = tpu.memref_slice %arg19[%arg1, %dma_start3A_622, %dma_start3A_623] : memref<16x2x16xf32, #tpu.memory_space<vmem_shared>> -> memref<1x2x16xf32, #tpu.memory_space<vmem_shared>>
      %dma_start3A_625 = tpu.memref_squeeze %dma_start3A_624 : memref<1x2x16xf32, #tpu.memory_space<vmem_shared>> -> memref<2x16xf32, #tpu.memory_space<vmem_shared>>
      %dma_start3A_626 = arith.constant 0 : i32
      %dma_start3A_627 = arith.constant 0 : i32
      %dma_start3A_628 = tpu.memref_slice %arg19[%arg1, %dma_start3A_626, %dma_start3A_627] : memref<16x2x16xf32, #tpu.memory_space<vmem_shared>> -> memref<1x2x16xf32, #tpu.memory_space<vmem_shared>>
      %dma_start3A_629 = tpu.memref_squeeze %dma_start3A_628 : memref<1x2x16xf32, #tpu.memory_space<vmem_shared>> -> memref<2x16xf32, #tpu.memory_space<vmem_shared>>
      tpu.enqueue_dma source(%arg15 : memref<2x16xf32, #tpu.memory_space<vmem>>) target(%dma_start3A_629 : memref<2x16xf32, #tpu.memory_space<vmem_shared>>) target_semaphore(%run_scoped3A : memref<!tpu.dma_semaphore, #tpu.memory_space<semaphore_mem>>)
      %dma_wait3A_630 = arith.constant 0 : i32
      %dma_wait3A_631 = arith.constant 0 : i32
      %dma_wait3A_632 = tpu.memref_slice %arg19[%arg1, %dma_wait3A_630, %dma_wait3A_631] : memref<16x2x16xf32, #tpu.memory_space<vmem_shared>> -> memref<1x2x16xf32, #tpu.memory_space<vmem_shared>>
      %dma_wait3A_633 = tpu.memref_squeeze %dma_wait3A_632 : memref<1x2x16xf32, #tpu.memory_space<vmem_shared>> -> memref<2x16xf32, #tpu.memory_space<vmem_shared>>
      %dma_wait3A_634 = arith.constant 0 : i32
      %dma_wait3A_635 = arith.constant 0 : i32
      %dma_wait3A_636 = tpu.memref_slice %arg19[%arg1, %dma_wait3A_634, %dma_wait3A_635] : memref<16x2x16xf32, #tpu.memory_space<vmem_shared>> -> memref<1x2x16xf32, #tpu.memory_space<vmem_shared>>
      %dma_wait3A_637 = tpu.memref_squeeze %dma_wait3A_636 : memref<1x2x16xf32, #tpu.memory_space<vmem_shared>> -> memref<2x16xf32, #tpu.memory_space<vmem_shared>>
      tpu.wait_dma2 semaphore(%run_scoped3A : memref<!tpu.dma_semaphore, #tpu.memory_space<semaphore_mem>>) src(%arg15 : memref<2x16xf32, #tpu.memory_space<vmem>>) dst(%dma_wait3A_637 : memref<2x16xf32, #tpu.memory_space<vmem_shared>>)
      tpu.yield
    }) : () -> ()
    %barrier3A_617 = arith.constant 0 : index
    tpu.barrier barrier_id(%barrier3A_617)
    %eq3A_618 = arith.constant 0 : i32
    %eq3A_619 = arith.cmpi eq, %arg1, %eq3A_618 : i32
    %convert_element_type3A_620 = arith.extui %eq3A_619 : i1 to i32
    %cond3A = arith.constant 0 : i32
    %cond3A_621 = arith.cmpi ne, %convert_element_type3A_620, %cond3A : i32
    scf.if %cond3A_621 {
      "tpu.region"() ({
        %run_scoped3A = tpu.sem_alloc : memref<!tpu.dma_semaphore, #tpu.memory_space<semaphore_mem>>
        tpu.enqueue_dma source(%arg19 : memref<16x2x16xf32, #tpu.memory_space<vmem_shared>>) target(%arg16 : memref<16x2x16xf32, #tpu.memory_space<vmem>>) target_semaphore(%run_scoped3A : memref<!tpu.dma_semaphore, #tpu.memory_space<semaphore_mem>>)
        tpu.wait_dma2 semaphore(%run_scoped3A : memref<!tpu.dma_semaphore, #tpu.memory_space<semaphore_mem>>) src(%arg19 : memref<16x2x16xf32, #tpu.memory_space<vmem_shared>>) dst(%arg16 : memref<16x2x16xf32, #tpu.memory_space<vmem>>)
        tpu.yield
      }) : () -> ()
      %get3A_622 = arith.constant 0 : i32
      %get3A_623 = arith.constant 0 : i32
      %get3A_624 = arith.index_cast %get3A_622 : i32 to index
      %get3A_625 = arith.index_cast %get3A_623 : i32 to index
      %get3A_626 = arith.constant 0 : index
      %get3A_627 = tpu.vector_load %arg16[%get3A_624, %get3A_625, %get3A_626] {strides = array<i32>} : memref<16x2x16xf32, #tpu.memory_space<vmem>>, vector<16xf32>,
      %get3A_628 = arith.constant 0 : i32
      %get3A_629 = arith.constant 1 : i32
      %get3A_630 = arith.index_cast %get3A_628 : i32 to index
      %get3A_631 = arith.index_cast %get3A_629 : i32 to index
      %get3A_632 = arith.constant 0 : index
      %get3A_633 = tpu.vector_load %arg16[%get3A_630, %get3A_631, %get3A_632] {strides = array<i32>} : memref<16x2x16xf32, #tpu.memory_space<vmem>>, vector<16xf32>,
      %scan3A_634 = arith.constant 1 : i32
      %scan3A_635 = arith.constant 15 : i32
      %scan3A_636 = arith.addi %scan3A_634, %scan3A_635 : i32
      %scan3A_637 = arith.constant 1 : i32
      %scan3A_638:2 = scf.for %scan3A_648 = %scan3A_634 to %scan3A_636 step %scan3A_637 iter_args(%scan3A_649 = %get3A_627, %scan3A_650 = %get3A_633) -> (vector<16xf32>, vector<16xf32>)  : i32 {
        %get3A_651 = arith.constant 0 : i32
        %get3A_652 = arith.index_cast %scan3A_648 : i32 to index
        %get3A_653 = arith.index_cast %get3A_651 : i32 to index
        %get3A_654 = arith.constant 0 : index
        %get3A_655 = tpu.vector_load %arg16[%get3A_652, %get3A_653, %get3A_654] {strides = array<i32>} : memref<16x2x16xf32, #tpu.memory_space<vmem>>, vector<16xf32>,
        %add3A_656 = arith.addf %scan3A_649, %get3A_655 : vector<16xf32>
        %get3A_657 = arith.constant 1 : i32
        %get3A_658 = arith.index_cast %scan3A_648 : i32 to index
        %get3A_659 = arith.index_cast %get3A_657 : i32 to index
        %get3A_660 = arith.constant 0 : index
        %get3A_661 = tpu.vector_load %arg16[%get3A_658, %get3A_659, %get3A_660] {strides = array<i32>} : memref<16x2x16xf32, #tpu.memory_space<vmem>>, vector<16xf32>,
        %add3A_662 = arith.addf %scan3A_650, %get3A_661 : vector<16xf32>
        scf.yield %add3A_656, %add3A_662 : vector<16xf32>, vector<16xf32>
      }
      %scan3A_639 = arith.constant 15 : i32
      %reduce_sum3A_640 = arith.constant true
      %reduce_sum3A_641 = vector.broadcast %reduce_sum3A_640 : i1 to vector<16xi1>
      %reduce_sum3A_642 = tpu.scan <sum>, %scan3A_638#1 masked %reduce_sum3A_641 : vector<16xf32>, vector<16xi1> -> vector<16xf32>
      %reduce_sum3A_643 = vector.extract %reduce_sum3A_642[15] : f32 from vector<16xf32>
      %max3A = arith.constant 1.000000e+00 : f32
      %max3A_644 = arith.maximumf %reduce_sum3A_643, %max3A : f32
      %div3A = vector.broadcast %max3A_644 : f32 to vector<16xf32>
      %div3A_645 = arith.divf %scan3A_638#0, %div3A : vector<16xf32>
      %swap3A_646 = arith.constant 0 : index
      %swap3A_647 = tpu.vector_load %arg17[%swap3A_646] {strides = array<i32>} : memref<16xf32, #tpu.memory_space<vmem>>, vector<16xf32>,
      tpu.vector_store %arg17[%swap3A_646], %div3A_645 {strides = array<i32>} : memref<16xf32, #tpu.memory_space<vmem>>, vector<16xf32>,
      "tpu.region"() ({
        %run_scoped3A = tpu.sem_alloc : memref<!tpu.dma_semaphore, #tpu.memory_space<semaphore_mem>>
        %dma_start3A_648 = arith.constant 0 : i32
        %dma_start3A_649 = tpu.memref_slice %arg17[%dma_start3A_648] : memref<16xf32, #tpu.memory_space<vmem>> -> memref<8xf32, #tpu.memory_space<vmem>>
        %dma_start3A_650 = arith.constant 0 : i32
        %dma_start3A_651 = tpu.memref_slice %arg17[%dma_start3A_650] : memref<16xf32, #tpu.memory_space<vmem>> -> memref<8xf32, #tpu.memory_space<vmem>>
        tpu.enqueue_dma source(%dma_start3A_651 : memref<8xf32, #tpu.memory_space<vmem>>) target(%arg6 : memref<8xf32, #tpu.memory_space<hbm>>) target_semaphore(%run_scoped3A : memref<!tpu.dma_semaphore, #tpu.memory_space<semaphore_mem>>)
        %dma_wait3A_652 = arith.constant 0 : i32
        %dma_wait3A_653 = tpu.memref_slice %arg17[%dma_wait3A_652] : memref<16xf32, #tpu.memory_space<vmem>> -> memref<8xf32, #tpu.memory_space<vmem>>
        %dma_wait3A_654 = arith.constant 0 : i32
        %dma_wait3A_655 = tpu.memref_slice %arg17[%dma_wait3A_654] : memref<16xf32, #tpu.memory_space<vmem>> -> memref<8xf32, #tpu.memory_space<vmem>>
        tpu.wait_dma2 semaphore(%run_scoped3A : memref<!tpu.dma_semaphore, #tpu.memory_space<semaphore_mem>>) src(%dma_wait3A_655 : memref<8xf32, #tpu.memory_space<vmem>>) dst(%arg6 : memref<8xf32, #tpu.memory_space<hbm>>)
        tpu.yield
      }) : () -> ()
    } else {
    }
    return
  }
}

</mosaic_0001>

<sc_bundles>
// kernel: kernel.3.cloned.1.call-start
scs
__scs_entry_jumppad:
0x0: {  	(pc) =	sbr.rel $0x88, $3  }
0x1: {  	(tag) =	ssettag $0x0;
	lr =	simm.s32 $0x1  }
0x2: {  	[smem:$0x3F9C] =	sst lr;
	_ =	strace $0xD0000000  }
0x3: {  	_ = 	snop  }
0x4: {  	_ = 	snop  }
0x5: {  	_ = 	snop  }
0x6: {  	_ = 	snop  }
0x7: {  	_ = 	snop  }
__scs_overlays_trampoline_lowered:
0x8: {  	[smem:$0x3FAB] =	sst s0  }
0x9: {  	[smem:$0x3FAC] =	sst s1  }
0xa: {  	[smem:$0x3FAD] =	sst s2  }
0xb: {  	[smem:$0x3FAE] =	sst s3  }
0xc: {  	[smem:$0x3FAF] =	sst s4  }
0xd: {  	[smem:$0x3FB0] =	sst s5  }
0xe: {  	[smem:$0x3FB1] =	sst s6  }
0xf: {  	[smem:$0x3FB2] =	sst s7  }
0x10: {  	[smem:$0x3FB3] =	sst s8  }
0x11: {  	[smem:$0x3FB4] =	sst s9;
	s0 =	simm.s32 @!p0 $0x0  }
0x12: {  	s1 =	sld [smem:$0x3F9A];
	s0 =	simm.s32 @p0 $0x1  }
0x13: {  	[smem:$0x3FB5] =	sst s0;
	s0 =	simm.s32 @!p1 $0x0  }
0x14: {  	s2 =	sld [smem:$0x3F99];
	s0 =	simm.s32 @p1 $0x1  }
0x15: {  	[smem:$0x3FB6] =	sst s0;
	s0 =	simm.s32 @!p2 $0x0  }
0x16: {  	s3 =	sld [smem:$0x3FDB];
	s0 =	simm.s32 @p2 $0x1  }
0x17: {  	s4 =	simm.s32 $0x1BF5;
	[smem:$0x3FB8] =	sst s0  }
0x18: {  	s0 =	sld [smem:$0x3F9B];
	_ =	swait.ge [sflag:s4], $0x0  }
0x19: {  	s7 =	sld [smem:$0x3F9C]  }
0x1a: {  	s8 =	sadd.s32 $0xFFFFE003, lr  }
0x1b: {  	s9 =	sadd.s32 $0xFFFFFEF7, lr;
	s5 =	simm.s32 $0xFFFFFFFF;
	p2 =	slt.u32 s8, $0xFFFFF086  }
0x1c: {  	p1 =	slt.u32 s9, $0xF7A;
	s5 =	simm.s32 @!p2 $0x0  }
0x1d: {  	s5 =	simm.s32 @p1 $0x1;
	p0 =	seq.s32 s7, s2  }
0x1e: {  	s7 =	smul.u32 @!p0 $0xF7A, s2;
	p2 =	seq.s32 @!p0 s5, $0x0  }
0x1f: {  	s9 =	smul.u32 $0xF7A, s1;
	s8 =	simm.s32 @!p0 $0x1BF5;
	p2 =	por !p2, p0  }
0x20: {  	[sflag:s8] =	ssyncset.s32 @!p0 $0xFFFFF086;
	s6 =	sadd.s32 @!p0 s3, s7;
	s7 =	simm.s32 @!p0 $0x108  }
0x21: {  	s3 =	sadd.s32 s3, s9;
	s6 =	sadd.s32 @!p0 $0x88, s6;
	s7 =	simm.s32 @p2 $0x1082  }
0x22: {  	[simem:s7], [sflag:s8] =	dma.local @!p0 [hbm:s6], $0xF7A  }
0x23: {  	s9 =	sor.u32 $0xD0000000, s2;
	s6 =	simm.s32 $0x108;
	_ =	swait.ge @!p0 [sflag:s8], $0x0  }
0x24: {  	s3 =	sadd.s32 $0x88, s3;
	s6 =	simm.s32 @!p1 $0x1082;
	[sflag:s4] =	ssyncset.s32 $0xFFFFF086  }
0x25: {  	[simem:s6], [sflag:s4] =	dma.local [hbm:s3], $0xF7A  }
0x26: {  	[smem:$0x3F9C] =	sst s1;
	(tag) =	ssettag s2;
	_ =	strace s9  }
0x27: {  	s1 =	sld [smem:$0x3FAC]  }
0x28: {  	s2 =	sld [smem:$0x3FAD]  }
0x29: {  	s4 =	sld [smem:$0x3FAF]  }
0x2a: {  	p0 =	seq.s32 s5, $0x0;
	s5 =	sld [smem:$0x3FB0]  }
0x2b: {  	s6 =	sld [smem:$0x3FB1]  }
0x2c: {  	s7 =	sld [smem:$0x3FB2]  }
0x2d: {  	s3 =	simm.s32 $0x108;
	s8 =	sld [smem:$0x3FB3]  }
0x2e: {  	s3 =	simm.s32 @!p0 $0x1082;
	s9 =	sld [smem:$0x3FB4]  }
0x2f: {  	lr =	sadd.s32 s0, s3;
	s0 =	sld [smem:$0x3FAB]  }
0x30: {  	s3 =	sld [smem:$0x3FAE]  }
0x31: {  	[smem:$0x3FB7] =	sst s10  }
0x32: {  	s10 =	sld [smem:$0x3FB5];
	_ =	sdelay $0x3  }
0x33: {  	p0 =	seq.s32 s10, $0x1;
	s10 =	sld [smem:$0x3FB7];
	_ =	sdelay $0x3  }
0x34: {  	[smem:$0x3FB7] =	sst s10  }
0x35: {  	s10 =	sld [smem:$0x3FB6];
	_ =	sdelay $0x3  }
0x36: {  	p1 =	seq.s32 s10, $0x1;
	s10 =	sld [smem:$0x3FB7];
	_ =	sdelay $0x3  }
0x37: {  	[smem:$0x3FB7] =	sst s10  }
0x38: {  	s10 =	sld [smem:$0x3FB8]  }
0x39: {  	_ = 	snop;
	(pc) =	sbr.ind lr, $3  }
0x3a: {  	_ = 	snop  }
0x3b: {  	_ = 	snop  }
0x3c: {  	p2 =	seq.s32 s10, $0x1;
	s10 =	sld [smem:$0x3FB7]  }
0x3d: {  	_ =	shalt  }
0x3e: {  	_ =	shalt  }
0x3f: {  	_ =	shalt  }
0x40: {  	_ =	shalt  }
0x41: {  	_ =	shalt  }
0x42: {  	_ =	shalt  }
0x43: {  	_ =	shalt  }
0x44: {  	_ =	shalt  }
0x45: {  	_ =	shalt  }
0x46: {  	_ =	shalt  }
0x47: {  	_ =	shalt  }
0x48: {  	_ =	shalt  }
0x49: {  	_ =	shalt  }
0x4a: {  	_ =	shalt  }
0x4b: {  	_ =	shalt  }
0x4c: {  	_ =	shalt  }
0x4d: {  	_ =	shalt  }
0x4e: {  	_ =	shalt  }
0x4f: {  	_ =	shalt  }
0x50: {  	_ =	shalt  }
0x51: {  	_ =	shalt  }
0x52: {  	_ =	shalt  }
0x53: {  	_ =	shalt  }
0x54: {  	_ =	shalt  }
0x55: {  	_ =	shalt  }
0x56: {  	_ =	shalt  }
0x57: {  	_ =	shalt  }
0x58: {  	_ =	shalt  }
0x59: {  	_ =	shalt  }
0x5a: {  	_ =	shalt  }
0x5b: {  	_ =	shalt  }
0x5c: {  	_ =	shalt  }
0x5d: {  	_ =	shalt  }
0x5e: {  	_ =	shalt  }
0x5f: {  	_ =	shalt  }
0x60: {  	_ =	shalt  }
0x61: {  	_ =	shalt  }
0x62: {  	_ =	shalt  }
0x63: {  	_ =	shalt  }
0x64: {  	_ =	shalt  }
0x65: {  	_ =	shalt  }
0x66: {  	_ =	shalt  }
0x67: {  	_ =	shalt  }
0x68: {  	_ =	shalt  }
0x69: {  	_ =	shalt  }
0x6a: {  	_ =	shalt  }
0x6b: {  	_ =	shalt  }
0x6c: {  	_ =	shalt  }
0x6d: {  	_ =	shalt  }
0x6e: {  	_ =	shalt  }
0x6f: {  	_ =	shalt  }
0x70: {  	_ =	shalt  }
0x71: {  	_ =	shalt  }
0x72: {  	_ =	shalt  }
0x73: {  	_ =	shalt  }
0x74: {  	_ =	shalt  }
0x75: {  	_ =	shalt  }
0x76: {  	_ =	shalt  }
0x77: {  	_ =	shalt  }
0x78: {  	_ =	shalt  }
0x79: {  	_ =	shalt  }
0x7a: {  	_ =	shalt  }
0x7b: {  	_ =	shalt  }
0x7c: {  	_ =	shalt  }
0x7d: {  	_ =	shalt  }
0x7e: {  	_ =	shalt  }
0x7f: {  	_ =	shalt  }
0x80: {  	_ =	shalt  }
0x81: {  	_ =	shalt  }
0x82: {  	_ =	shalt  }
0x83: {  	_ =	shalt  }
0x84: {  	_ =	shalt  }
0x85: {  	_ =	shalt  }
0x86: {  	_ =	shalt  }
0x87: {  	_ =	shalt  }
.Lfunc_end0:
.L_simem_size_0:
called_computation_lowered:
.L_overlay_start_0:
0x88: {  	s0 =	sld [smem:$0x3FD9]  }
0x89: {  	s1 =	sld [smem:$0x3FFE];
	_ =	sdelay $0x3  }
0x8a: {  	s0 =	sadd.s32 s1, s0  }
0x8b: {  	[smem:$0x3FC3] =	sst s0  }
0x8c: {  	_ = 	snop  }
0x8d: {  	s0 =	sld [smem:$0x3FC9]  }
0x8e: {  	s16 =	sld [smem:$0x3FC5]  }
0x8f: {  	s2 =	sld [smem:$0x3FD0];
	(tm) =	ssettm $0x1  }
0x90: {  	s3 =	sld [smem:$0x3FFB];
	_ =	sdelay $0x3  }
0x91: {  	_ =	strace s3  }
0x92: {  	s3 =	sld [smem:$0x3FFC];
	_ =	sdelay $0x3  }
0x93: {  	_ =	strace s3  }
0x94: {  	s3 =	sld [smem:$0x3FFD];
	_ =	sdelay $0x3  }
0x95: {  	_ =	strace s3  }
0x96: {  	_ =	strace $0x8FFFFFFF  }
0x97: {  	s17 =	sld [smem:$0x3FDB];
	_ =	sdelay $0x1  }
0x98: {  	s4 =	simm.s32 $_scs_section_size  }
0x99: {  	s5 =	simm.s32 $_size__tile_overlayer_lowered;
	s6 =	simm.s32 $_tile_overlayer_lowered  }
0x9a: {  	s20 =	simm.s32 $0x1BFF;
	s19 =	sshll.u32 s6, $0x1;
	s3 =	sadd.s32 s4, s17  }
0x9b: {  	s7 =	simm.s32 $0x0;
	s18 =	sshll.u32 s5, $0x1;
	s5 =	sadd.s32 s19, s3  }
0x9c: {  	[timem:s7], [sflag:s20] =	dma.local [hbm:s5], s18  }
0x9d: {  	_ =	swait.ge [sflag:s20], s18  }
0x9e: {  	s4 =	ssub.s32 $0x0, s18;
	[sflag:s20] =	ssyncset.done $0x0  }
0x9f: {  	[sflag:s20] =	ssyncadd.s32 s4;
	_ =	sdelay $0x1  }
0xa0: {  	s21 =	simm.s32 $0x1B8B  }
0xa1: {  	_ =	swait.ge [sflag:s21], $0x1  }
0xa2: {  	[sflag:s21] =	ssyncset.done $0x0  }
0xa3: {  	s23 =	simm.s32 $0x1B8E;
	s22 =	sld [smem:$0x3FFE];
	[sflag:s21] =	ssyncadd.s32 $0xFFFFFFFF  }
0xa4: {  	s24 =	simm.s32 $execute0_lowered;
	[smem:$0x3FD2] =	sst s23  }
0xa5: {  	s5 =	sshll.u32 s24, $0x1;
	_ =	strace $0x80000046;
	[dreg:$0x1] =	wrdreg $0xFFFFFFFF  }
0xa6: {  	s25 =	simm.s32 $_size_execute0_lowered;
	s3 =	sadd.s32 s3, s5;
	[dreg:$0x0] =	wrdreg $0x0  }
0xa7: {  	s5 =	sshll.u32 s25, $0x1;
	[dreg:$0x2] =	wrdreg s3  }
0xa8: {  	[dreg:$0x3] =	wrdreg s5  }
0xa9: {  	[dreg:$0x4] =	wrdreg $0xC0  }
0xaa: {  	_ =	task [dreg:s7], $0x5FFFF  }
0xab: {  	[dreg:$0x1] =	wrdreg $0xFFFFFFFF  }
0xac: {  	[dreg:$0x0] =	wrdreg $0x60  }
0xad: {  	[dreg:$0x2] =	wrdreg s0  }
0xae: {  	[dreg:$0x3] =	wrdreg s16  }
0xaf: {  	[dreg:$0x4] =	wrdreg s22  }
0xb0: {  	[dreg:$0x5] =	wrdreg s2  }
0xb1: {  	[dreg:$0x6] =	wrdreg $0x3E300  }
0xb2: {  	[dreg:$0x7] =	wrdreg $0x3E400  }
0xb3: {  	[dreg:$0x8] =	wrdreg $0x9  }
0xb4: {  	_ =	task.clear_ibuf [dreg:s7], $0x9FFFF;
	_ =	strace $0x90000046  }
0xb5: {  	s26 =	simm.s32 $0x9;
	_ =	strace $0x80000048  }
0xb6: {  	_ =	swait.ge [sflag:s26], $0x1  }
0xb7: {  	[sflag:s26] =	ssyncadd.s32 $0xFFFFFFFF  }
0xb8: {  	_ =	strace $0x90000048  }
0xb9: {  	_ =	sfence  }
0xba: {  	s28 =	sld [smem:$0x0];
	_ =	sdelay $0x1  }
0xbb: {  	s29 =	srdreg.scid  }
0xbc: {  	s30 =	sshll.u32 s29, $0xD;
	s31 =	sshrl.u32 s29, $0x2  }
0xbd: {  	s1 =	sand.u32 $0x1, s29;
	s2 =	sand.u32 $0x4000, s30;
	s0 =	sadd.s32 s31, s28  }
0xbe: {  	s1 =	sor.u32 s2, s1;
	s0 =	sshll.u32 s0, $0x11  }
0xbf: {  	s0 =	sor.u32 s0, s1  }
0xc0: {  	s0 =	sadd.s32 $0x8F2B, s0  }
0xc1: {  	[sflag:s0] =	ssyncadd.remote.s32 $0x1  }
0xc2: {  	_ =	sfence.sel $0xFFFF  }
0xc3: {  	[dreg:$0x0] =	wrdreg $0xFFFFFFFF;
	(pc) =	sbr.abs _section_cstart, $3  }
0xc4: {  	[dreg:$0x1] =	wrdreg $0xFFFFFFFF  }
0xc5: {  	_ =	task.clear_ibuf [dreg:s7], $0x2FFFF;
	_ =	strace $0x9FFFFFFF  }
0xc6: {  	(tm) =	ssettm $0x7FFFFFFF  }
0xc7: {  	_ =	shalt  }
tec
execute0_lowered:
.L_overlay_start_1:
0x0: {  	(tag) =	ssettag $0x1  }
0x1: {  	s5 =	rddreg [dreg:$0x0]  }
0x2: {  	s9 =	rddreg [dreg:$0x1];
	s2 =	stileid.u32  }
0x3: {  	s10 =	rddreg [dreg:$0x2];
	s6 =	sshrl.u32 s2, $0x1  }
0x4: {  	s1 =	rddreg [dreg:$0x3];
	s4 =	sand.u32 $0x1, s2;
	s11 =	smul.u32 $0xFA0, s6  }
0x5: {  	s7 =	rddreg [dreg:$0x4];
	s12 =	smul.u32 $0x7D0, s4  }
0x6: {  	s3 =	rddreg [dreg:$0x5]  }
0x7: {  	s0 =	rddreg [dreg:$0x6];
	s11 =	sadd.s32 s12, s11  }
0x8: {  	s8 =	simm.s32 $0x0;
	s22 =	simm.s32 $0x2A30;
	s11 =	sshrl.u32 s11, $0x3  }
0x9: {  	[smem:$0x7FF] =	sst s8;
	s21 =	sshll.u32 s6, $0x6;
	s11 =	sadd.s32 s11, s10  }
0xa: {  	_ =	strace $0x80000047;
	s10 =	sadd.s32 s21, s10;
	s11 =	sadd.s32 $0x600, s11  }
0xb: {  	[tilespmem:s22], [sflag:$0x3] =	stream.linear.gather [hbm4b:s11+s8], $0x7D0, $0x38;
	[tilespmem:$0x3E60] =	vst v63  }
0xc: {  	s24 =	simm.s32 $0x2830;
	s23 =	smul.u32 $0x4E2, s2;
	s10 =	sadd.s32 $0x400, s10  }
0xd: {  	[tilespmem:s24], [sflag:$0x2] =	stream.linear.gather [hbm4b:s10+s8], $0x200, $0x38;
	[tilespmem:$0x3E60] =	vst v63  }
0xe: {  	v0 =	vimm.s32 $0x1FFF;
	s25 =	simm.s32 $0x4;
	s9 =	sadd.s32 s9, s23  }
0xf: {  	[tilespmem:s8], [sflag:$0x4] =	stream.linear.gather [hbm4b:s9+s8], $0x2710, $0x38;
	[tilespmem:$0x3E60] =	vst v63  }
0x10: {  	_ =	swait.ge [sflag:s25], $0x2710  }
0x11: {  	[sflag:s25] =	ssyncset.done $0x0  }
0x12: {  	[sflag:s25] =	ssyncadd.s32 $0xFFFFD8F0  }
0x13: {  	v0 =	vld.idx.msk [tilespmem:v0+s8+$0x0], $0xffff;
	_ =	sdelay $0x3  }
0x14: {  	v1 =	vlaneseq.u32  }
0x15: {  	vm0 =	vlt.s32 v0, v1;
	v0 =	vimm.s32 $0x0  }
0x16: {  	v0 =	vsel vm0, $0x2000, v0  }
0x17: {  	v2 =	vor.u32 $0x1000, v0  }
0x18: {  	v3 =	vmin.u32 v2, $0x2710  }
0x19: {  	v3 =	vadd.s32 $0xFFFFFFFF, v3;
	_ =	sdelay $0x4  }
0x1a: {  	v3 =	vld.idx.msk [tilespmem:v3+s8+$0x0], $0xffff;
	_ =	sdelay $0x4  }
0x1b: {  	vm13 =	vlt.u32 v2, $0x2711;
	vm1 =	vlt.s32 v3, v1  }
0x1c: {  	vm0 =	vmand vm1, vm13  }
0x1d: {  	v0 =	vsel vm0, v2, v0  }
0x1e: {  	v2 =	vor.u32 $0x800, v0  }
0x1f: {  	v3 =	vmin.u32 v2, $0x2710  }
0x20: {  	v3 =	vadd.s32 $0xFFFFFFFF, v3;
	_ =	sdelay $0x4  }
0x21: {  	v3 =	vld.idx.msk [tilespmem:v3+s8+$0x0], $0xffff;
	_ =	sdelay $0x4  }
0x22: {  	vm14 =	vlt.u32 v2, $0x2711;
	vm15 =	vlt.s32 v3, v1  }
0x23: {  	vm0 =	vmand vm15, vm14  }
0x24: {  	v0 =	vsel vm0, v2, v0  }
0x25: {  	v2 =	vor.u32 $0x400, v0  }
0x26: {  	v3 =	vmin.u32 v2, $0x2710  }
0x27: {  	v3 =	vadd.s32 $0xFFFFFFFF, v3;
	_ =	sdelay $0x4  }
0x28: {  	v3 =	vld.idx.msk [tilespmem:v3+s8+$0x0], $0xffff;
	_ =	sdelay $0x4  }
0x29: {  	vm4 =	vlt.u32 v2, $0x2711;
	vm5 =	vlt.s32 v3, v1  }
0x2a: {  	vm0 =	vmand vm5, vm4  }
0x2b: {  	v0 =	vsel vm0, v2, v0  }
0x2c: {  	v2 =	vadd.s32 $0x200, v0  }
0x2d: {  	v3 =	vmin.u32 v2, $0x2710  }
0x2e: {  	v3 =	vadd.s32 $0xFFFFFFFF, v3;
	_ =	sdelay $0x4  }
0x2f: {  	v3 =	vld.idx.msk [tilespmem:v3+s8+$0x0], $0xffff;
	_ =	sdelay $0x4  }
0x30: {  	vm0 =	vlt.u32 v0, $0x2511;
	vm6 =	vlt.s32 v3, v1  }
0x31: {  	vm0 =	vmand vm6, vm0  }
0x32: {  	v0 =	vsel vm0, v2, v0  }
0x33: {  	v2 =	vadd.s32 $0x100, v0  }
0x34: {  	v3 =	vmin.u32 v2, $0x2710  }
0x35: {  	v3 =	vadd.s32 $0xFFFFFFFF, v3;
	_ =	sdelay $0x4  }
0x36: {  	v3 =	vld.idx.msk [tilespmem:v3+s8+$0x0], $0xffff;
	_ =	sdelay $0x4  }
0x37: {  	vm0 =	vlt.u32 v0, $0x2611;
	vm7 =	vlt.s32 v3, v1  }
0x38: {  	vm0 =	vmand vm7, vm0  }
0x39: {  	v0 =	vsel vm0, v2, v0  }
0x3a: {  	v2 =	vadd.s32 $0x80, v0  }
0x3b: {  	v3 =	vmin.u32 v2, $0x2710  }
0x3c: {  	v3 =	vadd.s32 $0xFFFFFFFF, v3;
	_ =	sdelay $0x4  }
0x3d: {  	v3 =	vld.idx.msk [tilespmem:v3+s8+$0x0], $0xffff;
	_ =	sdelay $0x4  }
0x3e: {  	vm0 =	vlt.u32 v0, $0x2691;
	vm8 =	vlt.s32 v3, v1  }
0x3f: {  	vm0 =	vmand vm8, vm0  }
0x40: {  	v0 =	vsel vm0, v2, v0  }
0x41: {  	v2 =	vadd.s32 $0x40, v0  }
0x42: {  	v3 =	vmin.u32 v2, $0x2710  }
0x43: {  	v3 =	vadd.s32 $0xFFFFFFFF, v3;
	_ =	sdelay $0x4  }
0x44: {  	v3 =	vld.idx.msk [tilespmem:v3+s8+$0x0], $0xffff;
	_ =	sdelay $0x4  }
0x45: {  	vm0 =	vlt.u32 v0, $0x26D1;
	vm9 =	vlt.s32 v3, v1  }
0x46: {  	vm0 =	vmand vm9, vm0  }
0x47: {  	v0 =	vsel vm0, v2, v0  }
0x48: {  	v2 =	vadd.s32 $0x20, v0  }
0x49: {  	v3 =	vmin.u32 v2, $0x2710  }
0x4a: {  	v3 =	vadd.s32 $0xFFFFFFFF, v3;
	_ =	sdelay $0x4  }
0x4b: {  	v3 =	vld.idx.msk [tilespmem:v3+s8+$0x0], $0xffff;
	_ =	sdelay $0x4  }
0x4c: {  	vm0 =	vlt.u32 v0, $0x26F1;
	vm10 =	vlt.s32 v3, v1  }
0x4d: {  	vm0 =	vmand vm10, vm0  }
0x4e: {  	v0 =	vsel vm0, v2, v0  }
0x4f: {  	v2 =	vadd.s32 $0x10, v0  }
0x50: {  	v3 =	vmin.u32 v2, $0x2710  }
0x51: {  	v3 =	vadd.s32 $0xFFFFFFFF, v3;
	_ =	sdelay $0x4  }
0x52: {  	v3 =	vld.idx.msk [tilespmem:v3+s8+$0x0], $0xffff;
	_ =	sdelay $0x4  }
0x53: {  	vm0 =	vlt.u32 v0, $0x2701;
	vm11 =	vlt.s32 v3, v1  }
0x54: {  	vm0 =	vmand vm11, vm0  }
0x55: {  	v0 =	vsel vm0, v2, v0  }
0x56: {  	v2 =	vadd.s32 $0x8, v0  }
0x57: {  	v3 =	vmin.u32 v2, $0x2710  }
0x58: {  	v3 =	vadd.s32 $0xFFFFFFFF, v3;
	_ =	sdelay $0x4  }
0x59: {  	v3 =	vld.idx.msk [tilespmem:v3+s8+$0x0], $0xffff;
	_ =	sdelay $0x4  }
0x5a: {  	vm0 =	vlt.u32 v0, $0x2709;
	vm12 =	vlt.s32 v3, v1  }
0x5b: {  	vm0 =	vmand vm12, vm0  }
0x5c: {  	v0 =	vsel vm0, v2, v0  }
0x5d: {  	v2 =	vadd.s32 $0x4, v0  }
0x5e: {  	v3 =	vmin.u32 v2, $0x2710  }
0x5f: {  	v3 =	vadd.s32 $0xFFFFFFFF, v3;
	_ =	sdelay $0x4  }
0x60: {  	v3 =	vld.idx.msk [tilespmem:v3+s8+$0x0], $0xffff;
	_ =	sdelay $0x4  }
0x61: {  	vm0 =	vlt.u32 v0, $0x270D;
	vm13 =	vlt.s32 v3, v1  }
0x62: {  	vm0 =	vmand vm13, vm0  }
0x63: {  	v0 =	vsel vm0, v2, v0  }
0x64: {  	v2 =	vadd.s32 $0x2, v0  }
0x65: {  	v3 =	vmin.u32 v2, $0x2710  }
0x66: {  	v3 =	vadd.s32 $0xFFFFFFFF, v3;
	_ =	sdelay $0x4  }
0x67: {  	v3 =	vld.idx.msk [tilespmem:v3+s8+$0x0], $0xffff;
	_ =	sdelay $0x4  }
0x68: {  	vm0 =	vlt.u32 v0, $0x270F;
	vm14 =	vlt.s32 v3, v1  }
0x69: {  	vm0 =	vmand vm14, vm0  }
0x6a: {  	v0 =	vsel vm0, v2, v0  }
0x6b: {  	v2 =	vadd.s32 $0x1, v0  }
0x6c: {  	v3 =	vmin.u32 v2, $0x2710  }
0x6d: {  	v3 =	vadd.s32 $0xFFFFFFFF, v3;
	_ =	sdelay $0x4  }
0x6e: {  	v3 =	vld.idx.msk [tilespmem:v3+s8+$0x0], $0xffff;
	_ =	sdelay $0x4  }
0x6f: {  	vm0 =	vlt.u32 v0, $0x2710;
	vm15 =	vlt.s32 v3, v1  }
0x70: {  	vm0 =	vmand vm15, vm0  }
0x71: {  	s26 =	sshll.u32 s2, $0x4;
	v0 =	vsel vm0, v2, v0  }
0x72: {  	s28 =	simm.s32 $0x2710;
	s8 =	sadd.s32 s26, s7;
	[tilespmem:$0x2710] =	vst v0  }
0x73: {  	[spmem:s8] =	stream.linear.scatter [tilespmem:s28], [sflag:$0x4], $0x10, $0x38;
	[tilespmem:$0x3E60] =	vst v63  }
0x74: {  	_ =	swait.ge [sflag:s25], $0x10  }
0x75: {  	[sflag:s25] =	ssyncset.done $0x0  }
0x76: {  	[sflag:s25] =	ssyncadd.s32 $0xFFFFFFF0  }
0x77: {  	s29 =	simm.s32 $0x2720;
	[bflag:$0x0] =	sbarrier.arrive $0xFFFF  }
0x78: {  	[tilespmem:s29], [sflag:$0x4] =	stream.linear.gather [spmem:s7], $0x100, $0x38;
	[tilespmem:$0x3E60] =	vst v63  }
0x79: {  	_ =	swait.ge [sflag:s25], $0x100  }
0x7a: {  	[sflag:s25] =	ssyncset.done $0x0  }
0x7b: {  	[sflag:s25] =	ssyncadd.s32 $0xFFFFFF00  }
0x7c: {  	v0 =	vld [tilespmem:$0x2720]  }
0x7d: {  	v1 =	vld [tilespmem:$0x2730]  }
0x7e: {  	v2 =	vld [tilespmem:$0x2740]  }
0x7f: {  	v3 =	vld [tilespmem:$0x2750]  }
0x80: {  	v4 =	vld [tilespmem:$0x2760]  }
0x81: {  	v5 =	vld [tilespmem:$0x2770]  }
0x82: {  	v0 =	vadd.s32 v0, v1;
	v1 =	vld [tilespmem:$0x2780]  }
0x83: {  	v0 =	vadd.s32 v0, v2;
	v2 =	vld [tilespmem:$0x2790]  }
0x84: {  	v0 =	vadd.s32 v0, v3;
	v3 =	vld [tilespmem:$0x27A0]  }
0x85: {  	v60 =	vld [tilespmem:$0x27B0];
	v0 =	vadd.s32 v0, v4  }
0x86: {  	v61 =	vld [tilespmem:$0x27C0];
	v0 =	vadd.s32 v0, v5  }
0x87: {  	v0 =	vadd.s32 v0, v1;
	v1 =	vld [tilespmem:$0x27D0]  }
0x88: {  	v0 =	vadd.s32 v0, v2;
	v2 =	vld [tilespmem:$0x27E0]  }
0x89: {  	v0 =	vadd.s32 v0, v3;
	v3 =	vld [tilespmem:$0x27F0]  }
0x8a: {  	v62 =	vld [tilespmem:$0x2800];
	v0 =	vadd.s32 v0, v60  }
0x8b: {  	v63 =	vld [tilespmem:$0x2810];
	v0 =	vadd.s32 v0, v61  }
0x8c: {  	v0 =	vadd.s32 v0, v1  }
0x8d: {  	v0 =	vadd.s32 v0, v2  }
0x8e: {  	v0 =	vadd.s32 v0, v3  }
0x8f: {  	v0 =	vadd.s32 v0, v62  }
0x90: {  	v0 =	vadd.s32 v0, v63  }
0x91: {  	s30 =	simm.s32 $0x2;
	v1 =	vmov s6;
	[tilespmem:$0x2820] =	vst v0  }
0x92: {  	_ =	swait.ge [sflag:s30], $0x200  }
0x93: {  	[sflag:s30] =	ssyncset.done $0x0  }
0x94: {  	s6 =	simm.s32 $0x0;
	[sflag:s30] =	ssyncadd.s32 $0xFFFFFE00  }
0x95: {  	s31 =	simm.s32 $0x2820;
	v2 =	vld [tilespmem:s6+$0x2830]  }
0x96: {  	v1 =	vld.idx.msk [tilespmem:v1+s31+$0x0], $0xffff;
	_ =	sdelay $0x2  }
0x97: {  	s7 =	simm.s32 $0x40;
	v0 =	vimm.f32 $0.0e+00  }
.LBB2_1:
0x98: {  	s8 =	sshra.s32 s7, $0x2;
	p0 =	sne.s32 s7, $0x7C0;
	s7 =	sadd.s32 $0x40, s7;
	v3 =	vand.u32 $0xFFFFF, v2;
	v4 =	vshra.s32 v2, $0x14  }
.Ltmp0:
0x99: {  	v2 =	vld [tilespmem:s8+$0x2830];
	v3 =	vadd.s32 v1, v3;
	v4 =	vcvt.s32.f32 v4;
	(pc) =	sbr.rel @p0 .LBB2_1-.Ltmp0, $4  }
0x9a: {  	vm0 =	vgt.s32 v3, $0x0  }
0x9b: {  	v3 =	vnsel vm0, $0x0, v3;
	v0 =	vadd.f32 v4, v0  }
0x9c: {  	v3 =	vmin.u32 v3, $0x270FF  }
0x9d: {  	[tilespmem:s6+$0x3200] =	vst v3;
	s6 =	smov.u32 s8  }
0x9e: {  	v3 =	vand.u32 $0xFFFFF, v2  }
0x9f: {  	v1 =	vadd.s32 v1, v3  }
0xa0: {  	vm0 =	vgt.s32 v1, $0x0  }
0xa1: {  	v2 =	vshra.s32 v2, $0x14;
	v1 =	vnsel vm0, $0x0, v1  }
0xa2: {  	v2 =	vcvt.s32.f32 v2;
	v1 =	vmin.u32 v1, $0x270FF  }
0xa3: {  	s7 =	sshll.u32 s4, $0x9;
	[tilespmem:s6+$0x3200] =	vst v1;
	s6 =	simm.s32 $0x0  }
0xa4: {  	s8 =	simm.s32 $0x40;
	v0 =	vadd.f32 v2, v0;
	vm0 =	vmmov $0xffff;
	v1 =	vmov s7;
	s7 =	simm.s32 $0x0;
	v2 =	vld [tilespmem:s6+$0x3200]  }
.LBB2_3:
0xa5: {  	p0 =	sne.s32 s8, $0x780;
	_ =	sdelay $0x3  }
0xa6: {  	v3 =	vshll.u32 v2, $0x3  }
0xa7: {  	v2 =	vand.u32 $0x7F, v2;
	v3 =	vand.u32 $0xFFFFFC00, v3  }
0xa8: {  	v2 =	vor.u32 v3, v2  }
0xa9: {  	v2 =	vor.u32 v1, v2;
	_ =	sdelay $0x1  }
.Ltmp1:
0xaa: {  	(pc) =	sbr.rel @p0 .LBB2_3-.Ltmp1, $4  }
0xab: {  	_ = 	snop  }
0xac: {  	s9 =	sadd.s32 $0x3400, s6;
	s6 =	sshra.s32 s8, $0x2  }
0xad: {  	[tilespmem:s9], [sflag:$0x1] =	stream.indirect_vreg.gather [hbm4b:s5+s7], $0x1, v2, vm0, $0xb8;
	[tilespmem:$0x3E60] =	vst v63  }
0xae: {  	s8 =	sadd.s32 $0x40, s8;
	v2 =	vld [tilespmem:s6+$0x3200]  }
0xaf: {  	_ =	sdelay $0x3  }
0xb0: {  	v3 =	vshll.u32 v2, $0x3  }
0xb1: {  	v2 =	vand.u32 $0x7F, v2;
	v3 =	vand.u32 $0xFFFFFC00, v3  }
0xb2: {  	v2 =	vor.u32 v3, v2  }
0xb3: {  	v2 =	vor.u32 v1, v2;
	_ =	sdelay $0x3  }
0xb4: {  	s6 =	sadd.s32 $0x3400, s6  }
0xb5: {  	[tilespmem:s6], [sflag:$0x1] =	stream.indirect_vreg.gather [hbm4b:s5+s7], $0x1, v2, vm0, $0xb8;
	[tilespmem:$0x3E60] =	vst v63  }
0xb6: {  	v2 =	vld [tilespmem:$0x33E4];
	_ =	sdelay $0x4  }
0xb7: {  	v3 =	vshll.u32 v2, $0x3  }
0xb8: {  	v2 =	vand.u32 $0x7F, v2;
	v3 =	vand.u32 $0xFFFFFC00, v3  }
0xb9: {  	v2 =	vor.u32 v3, v2  }
0xba: {  	v1 =	vor.u32 v1, v2;
	_ =	sdelay $0x2  }
0xbb: {  	s7 =	sshll.u32 s4, $0x2  }
0xbc: {  	s8 =	simm.s32 $0x0;
	s9 =	simm.s32 $0x35F0;
	s6 =	sor.u32 $0x1, s7  }
0xbd: {  	[tilespmem:s9], [sflag:$0x1] =	stream.indirect_vreg.gather [hbm4b:s5+s8], $0x1, v1, vm0, $0xb8;
	[tilespmem:$0x3E60] =	vst v63  }
0xbe: {  	s10 =	sshll.u32 s6, $0x7;
	s9 =	simm.s32 $0x0  }
0xbf: {  	v1 =	vmov s10;
	s10 =	simm.s32 $0x40;
	v2 =	vld [tilespmem:s9+$0x3200]  }
.LBB2_5:
0xc0: {  	p0 =	sne.s32 s10, $0x780;
	_ =	sdelay $0x3  }
0xc1: {  	v3 =	vshll.u32 v2, $0x3  }
0xc2: {  	v2 =	vand.u32 $0x7F, v2;
	v3 =	vand.u32 $0xFFFFFC00, v3  }
0xc3: {  	v2 =	vor.u32 v3, v2  }
0xc4: {  	v2 =	vor.u32 v1, v2;
	_ =	sdelay $0x1  }
.Ltmp2:
0xc5: {  	(pc) =	sbr.rel @p0 .LBB2_5-.Ltmp2, $4  }
0xc6: {  	_ = 	snop  }
0xc7: {  	s11 =	sadd.s32 $0x3600, s9;
	s9 =	sshra.s32 s10, $0x2  }
0xc8: {  	[tilespmem:s11], [sflag:$0x1] =	stream.indirect_vreg.gather [hbm4b:s5+s8], $0x1, v2, vm0, $0xb8;
	[tilespmem:$0x3E60] =	vst v63  }
0xc9: {  	s10 =	sadd.s32 $0x40, s10;
	v2 =	vld [tilespmem:s9+$0x3200]  }
0xca: {  	_ =	sdelay $0x3  }
0xcb: {  	v3 =	vshll.u32 v2, $0x3  }
0xcc: {  	v2 =	vand.u32 $0x7F, v2;
	v3 =	vand.u32 $0xFFFFFC00, v3  }
0xcd: {  	v2 =	vor.u32 v3, v2  }
0xce: {  	v2 =	vor.u32 v1, v2;
	_ =	sdelay $0x3  }
0xcf: {  	s9 =	sadd.s32 $0x3600, s9  }
0xd0: {  	[tilespmem:s9], [sflag:$0x1] =	stream.indirect_vreg.gather [hbm4b:s5+s8], $0x1, v2, vm0, $0xb8;
	[tilespmem:$0x3E60] =	vst v63  }
0xd1: {  	v2 =	vld [tilespmem:$0x33E4];
	_ =	sdelay $0x4  }
0xd2: {  	v3 =	vshll.u32 v2, $0x3  }
0xd3: {  	v2 =	vand.u32 $0x7F, v2;
	v3 =	vand.u32 $0xFFFFFC00, v3  }
0xd4: {  	v2 =	vor.u32 v3, v2  }
0xd5: {  	v1 =	vor.u32 v1, v2;
	_ =	sdelay $0x3  }
0xd6: {  	s10 =	simm.s32 $0x37F0;
	s8 =	sor.u32 $0x2, s7;
	s9 =	simm.s32 $0x0  }
0xd7: {  	[tilespmem:s10], [sflag:$0x1] =	stream.indirect_vreg.gather [hbm4b:s5+s9], $0x1, v1, vm0, $0xb8;
	[tilespmem:$0x3E60] =	vst v63  }
0xd8: {  	s11 =	sshll.u32 s8, $0x7;
	s10 =	simm.s32 $0x0  }
0xd9: {  	v1 =	vmov s11;
	s11 =	simm.s32 $0x40;
	v2 =	vld [tilespmem:s10+$0x3200]  }
.LBB2_7:
0xda: {  	p0 =	sne.s32 s11, $0x780;
	_ =	sdelay $0x3  }
0xdb: {  	v3 =	vshll.u32 v2, $0x3  }
0xdc: {  	v2 =	vand.u32 $0x7F, v2;
	v3 =	vand.u32 $0xFFFFFC00, v3  }
0xdd: {  	v2 =	vor.u32 v3, v2  }
0xde: {  	v2 =	vor.u32 v1, v2;
	_ =	sdelay $0x1  }
.Ltmp3:
0xdf: {  	(pc) =	sbr.rel @p0 .LBB2_7-.Ltmp3, $4  }
0xe0: {  	_ = 	snop  }
0xe1: {  	s12 =	sadd.s32 $0x3800, s10;
	s10 =	sshra.s32 s11, $0x2  }
0xe2: {  	[tilespmem:s12], [sflag:$0x1] =	stream.indirect_vreg.gather [hbm4b:s5+s9], $0x1, v2, vm0, $0xb8;
	[tilespmem:$0x3E60] =	vst v63  }
0xe3: {  	s11 =	sadd.s32 $0x40, s11;
	v2 =	vld [tilespmem:s10+$0x3200]  }
0xe4: {  	_ =	sdelay $0x3  }
0xe5: {  	v3 =	vshll.u32 v2, $0x3  }
0xe6: {  	v2 =	vand.u32 $0x7F, v2;
	v3 =	vand.u32 $0xFFFFFC00, v3  }
0xe7: {  	v2 =	vor.u32 v3, v2  }
0xe8: {  	v2 =	vor.u32 v1, v2;
	_ =	sdelay $0x3  }
0xe9: {  	s10 =	sadd.s32 $0x3800, s10  }
0xea: {  	[tilespmem:s10], [sflag:$0x1] =	stream.indirect_vreg.gather [hbm4b:s5+s9], $0x1, v2, vm0, $0xb8;
	[tilespmem:$0x3E60] =	vst v63  }
0xeb: {  	v2 =	vld [tilespmem:$0x33E4];
	_ =	sdelay $0x4  }
0xec: {  	v3 =	vshll.u32 v2, $0x3  }
0xed: {  	v2 =	vand.u32 $0x7F, v2;
	v3 =	vand.u32 $0xFFFFFC00, v3  }
0xee: {  	v2 =	vor.u32 v3, v2  }
0xef: {  	v1 =	vor.u32 v1, v2;
	_ =	sdelay $0x3  }
0xf0: {  	s11 =	simm.s32 $0x39F0;
	s9 =	sor.u32 $0x3, s7;
	s10 =	simm.s32 $0x0  }
0xf1: {  	[tilespmem:s11], [sflag:$0x1] =	stream.indirect_vreg.gather [hbm4b:s5+s10], $0x1, v1, vm0, $0xb8;
	[tilespmem:$0x3E60] =	vst v63  }
0xf2: {  	s12 =	sshll.u32 s9, $0x7;
	s11 =	simm.s32 $0x0  }
0xf3: {  	v1 =	vmov s12;
	s12 =	simm.s32 $0x40;
	v2 =	vld [tilespmem:s11+$0x3200]  }
.LBB2_9:
0xf4: {  	p0 =	sne.s32 s12, $0x780;
	_ =	sdelay $0x3  }
0xf5: {  	v3 =	vshll.u32 v2, $0x3  }
0xf6: {  	v2 =	vand.u32 $0x7F, v2;
	v3 =	vand.u32 $0xFFFFFC00, v3  }
0xf7: {  	v2 =	vor.u32 v3, v2  }
0xf8: {  	v2 =	vor.u32 v1, v2;
	_ =	sdelay $0x1  }
.Ltmp4:
0xf9: {  	(pc) =	sbr.rel @p0 .LBB2_9-.Ltmp4, $4  }
0xfa: {  	_ = 	snop  }
0xfb: {  	s13 =	sadd.s32 $0x3A00, s11;
	s11 =	sshra.s32 s12, $0x2  }
0xfc: {  	[tilespmem:s13], [sflag:$0x1] =	stream.indirect_vreg.gather [hbm4b:s5+s10], $0x1, v2, vm0, $0xb8;
	[tilespmem:$0x3E60] =	vst v63  }
0xfd: {  	s12 =	sadd.s32 $0x40, s12;
	v2 =	vld [tilespmem:s11+$0x3200]  }
0xfe: {  	_ =	sdelay $0x3  }
0xff: {  	v3 =	vshll.u32 v2, $0x3  }
0x100: {  	v2 =	vand.u32 $0x7F, v2;
	v3 =	vand.u32 $0xFFFFFC00, v3  }
0x101: {  	v2 =	vor.u32 v3, v2  }
0x102: {  	v2 =	vor.u32 v1, v2;
	_ =	sdelay $0x3  }
0x103: {  	s11 =	sadd.s32 $0x3A00, s11  }
0x104: {  	[tilespmem:s11], [sflag:$0x1] =	stream.indirect_vreg.gather [hbm4b:s5+s10], $0x1, v2, vm0, $0xb8;
	[tilespmem:$0x3E60] =	vst v63  }
0x105: {  	v2 =	vld [tilespmem:$0x33E4];
	_ =	sdelay $0x4  }
0x106: {  	v3 =	vshll.u32 v2, $0x3  }
0x107: {  	v2 =	vand.u32 $0x7F, v2;
	v3 =	vand.u32 $0xFFFFFC00, v3  }
0x108: {  	v2 =	vor.u32 v3, v2  }
0x109: {  	v1 =	vor.u32 v1, v2;
	_ =	sdelay $0x3  }
0x10a: {  	s25 =	simm.s32 $0x0;
	s26 =	simm.s32 $0x3BF0;
	s28 =	simm.s32 $0x3  }
0x10b: {  	[tilespmem:s26], [sflag:$0x1] =	stream.indirect_vreg.gather [hbm4b:s5+s25], $0x1, v1, vm0, $0xb8;
	[tilespmem:$0x3E60] =	vst v63  }
0x10c: {  	_ =	swait.ge [sflag:s28], $0x7D0  }
0x10d: {  	[sflag:s28] =	ssyncset.done $0x0  }
0x10e: {  	s29 =	simm.s32 $0x1;
	[sflag:s28] =	ssyncadd.s32 $0xFFFFF830  }
0x10f: {  	_ =	swait.ge [sflag:s29], $0x200  }
0x110: {  	[sflag:s29] =	ssyncset.done $0x0  }
0x111: {  	[sflag:s29] =	ssyncadd.s32 $0xFFFFFE00  }
0x112: {  	_ =	swait.ge [sflag:s29], $0x200  }
0x113: {  	[sflag:s29] =	ssyncset.done $0x0  }
0x114: {  	[sflag:s29] =	ssyncadd.s32 $0xFFFFFE00  }
0x115: {  	_ =	swait.ge [sflag:s29], $0x200  }
0x116: {  	[sflag:s29] =	ssyncset.done $0x0  }
0x117: {  	[sflag:s29] =	ssyncadd.s32 $0xFFFFFE00  }
0x118: {  	_ =	swait.ge [sflag:s29], $0x200  }
0x119: {  	[sflag:s29] =	ssyncset.done $0x0  }
0x11a: {  	s30 =	simm.s32 $0x0;
	[sflag:s29] =	ssyncadd.s32 $0xFFFFFE00  }
0x11b: {  	v1 =	vld [tilespmem:s30+$0x2830];
	_ =	sdelay $0x1  }
0x11c: {  	v2 =	vld [tilespmem:s30+$0x3400]  }
0x11d: {  	v4 =	vld [tilespmem:s30+$0x2A30];
	_ =	sdelay $0x1  }
0x11e: {  	s31 =	simm.s32 $0x10;
	v1 =	vshra.s32 v1, $0x14  }
0x11f: {  	v3 =	vld [tilespmem:s31+$0x2830];
	v1 =	vcvt.s32.f32 v1;
	_ =	sdelay $0x1  }
0x120: {  	v5 =	vmul.f32 v1, v2;
	v6 =	vmul.f32 v1, v4;
	v2 =	vld [tilespmem:s31+$0x3400]  }
0x121: {  	v4 =	vld [tilespmem:s31+$0x2A30]  }
0x122: {  	s5 =	simm.s32 $0x80;
	v1 =	vimm.f32 $0.0e+00;
	v5 =	vsub.f32 v5, v6  }
.LBB2_11:
0x123: {  	s10 =	sshra.s32 s5, $0x2;
	p0 =	sne.s32 s5, $0x780;
	s5 =	sadd.s32 $0x40, s5;
	v6 =	vshra.s32 v3, $0x14  }
.Ltmp5:
0x124: {  	v3 =	vld [tilespmem:s10+$0x2830];
	v6 =	vcvt.s32.f32 v6;
	v5 =	vand.u32 $0x7FFFFFFF, v5;
	(pc) =	sbr.rel @p0 .LBB2_11-.Ltmp5, $4  }
0x125: {  	v1 =	vadd.f32 v5, v1  }
0x126: {  	v5 =	vmul.f32 v6, v2;
	v2 =	vld [tilespmem:s10+$0x3400];
	v6 =	vmul.f32 v6, v4  }
0x127: {  	v4 =	vld [tilespmem:s10+$0x2A30]  }
0x128: {  	v5 =	vsub.f32 v5, v6  }
0x129: {  	s5 =	simm.s32 $0x0  }
0x12a: {  	v6 =	vld [tilespmem:s5+$0x2830]  }
0x12b: {  	v3 =	vshra.s32 v3, $0x14  }
0x12c: {  	v8 =	vld [tilespmem:s5+$0x3600];
	v3 =	vcvt.s32.f32 v3  }
0x12d: {  	v9 =	vld [tilespmem:s5+$0x2C24]  }
0x12e: {  	v7 =	vmul.f32 v3, v2;
	v4 =	vmul.f32 v3, v4  }
0x12f: {  	s10 =	simm.s32 $0x10;
	v2 =	vld [tilespmem:$0x35F0];
	v6 =	vshra.s32 v6, $0x14  }
0x130: {  	v10 =	vsub.f32 v7, v4;
	v7 =	vld [tilespmem:s10+$0x2830];
	v6 =	vcvt.s32.f32 v6  }
0x131: {  	v5 =	vand.u32 $0x7FFFFFFF, v5;
	v3 =	vld [tilespmem:$0x2C14]  }
0x132: {  	v1 =	vadd.f32 v5, v1;
	v11 =	vmul.f32 v6, v8;
	v9 =	vmul.f32 v6, v9;
	v6 =	vld [tilespmem:s10+$0x3600]  }
0x133: {  	v5 =	vand.u32 $0x7FFFFFFF, v10;
	v8 =	vld [tilespmem:s10+$0x2C24]  }
0x134: {  	s5 =	simm.s32 $0x80;
	v4 =	vld [tilespmem:$0x2A14];
	v1 =	vadd.f32 v5, v1;
	v5 =	vimm.f32 $0.0e+00;
	v9 =	vsub.f32 v11, v9  }
.LBB2_13:
0x135: {  	s10 =	sshra.s32 s5, $0x2;
	p0 =	sne.s32 s5, $0x780;
	s5 =	sadd.s32 $0x40, s5;
	v10 =	vshra.s32 v7, $0x14  }
.Ltmp6:
0x136: {  	v7 =	vld [tilespmem:s10+$0x2830];
	v10 =	vcvt.s32.f32 v10;
	v9 =	vand.u32 $0x7FFFFFFF, v9;
	(pc) =	sbr.rel @p0 .LBB2_13-.Ltmp6, $4  }
0x137: {  	v5 =	vadd.f32 v9, v5  }
0x138: {  	v9 =	vmul.f32 v10, v6;
	v6 =	vld [tilespmem:s10+$0x3600];
	v10 =	vmul.f32 v10, v8  }
0x139: {  	v8 =	vld [tilespmem:s10+$0x2C24]  }
0x13a: {  	v9 =	vsub.f32 v9, v10  }
0x13b: {  	s5 =	simm.s32 $0x0  }
0x13c: {  	v10 =	vld [tilespmem:s5+$0x2830];
	_ =	sdelay $0x1  }
0x13d: {  	v7 =	vshra.s32 v7, $0x14;
	v11 =	vld [tilespmem:s5+$0x3800]  }
0x13e: {  	v7 =	vcvt.s32.f32 v7;
	v12 =	vld [tilespmem:s5+$0x2E18];
	_ =	sdelay $0x1  }
0x13f: {  	s10 =	simm.s32 $0x10;
	v13 =	vmul.f32 v7, v6;
	v7 =	vmul.f32 v7, v8;
	v8 =	vshra.s32 v10, $0x14  }
0x140: {  	v9 =	vand.u32 $0x7FFFFFFF, v9;
	v10 =	vld [tilespmem:s10+$0x2830];
	v8 =	vcvt.s32.f32 v8  }
0x141: {  	v5 =	vadd.f32 v9, v5;
	v9 =	vld [tilespmem:s10+$0x3800];
	v13 =	vsub.f32 v13, v7  }
0x142: {  	v6 =	vld [tilespmem:$0x37F0];
	v14 =	vmul.f32 v8, v11;
	v12 =	vmul.f32 v8, v12  }
0x143: {  	v8 =	vand.u32 $0x7FFFFFFF, v13;
	v11 =	vld [tilespmem:s10+$0x2E18]  }
0x144: {  	s5 =	simm.s32 $0x80;
	v7 =	vld [tilespmem:$0x2E08];
	v5 =	vadd.f32 v8, v5;
	v8 =	vimm.f32 $0.0e+00;
	v12 =	vsub.f32 v14, v12  }
.LBB2_15:
0x145: {  	s10 =	sshra.s32 s5, $0x2;
	p0 =	sne.s32 s5, $0x780;
	s5 =	sadd.s32 $0x40, s5;
	v13 =	vshra.s32 v10, $0x14  }
.Ltmp7:
0x146: {  	v10 =	vld [tilespmem:s10+$0x2830];
	v13 =	vcvt.s32.f32 v13;
	v12 =	vand.u32 $0x7FFFFFFF, v12;
	(pc) =	sbr.rel @p0 .LBB2_15-.Ltmp7, $4  }
0x147: {  	v8 =	vadd.f32 v12, v8  }
0x148: {  	v12 =	vmul.f32 v13, v9;
	v9 =	vld [tilespmem:s10+$0x3800];
	v13 =	vmul.f32 v13, v11  }
0x149: {  	v11 =	vld [tilespmem:s10+$0x2E18]  }
0x14a: {  	v12 =	vsub.f32 v12, v13  }
0x14b: {  	s5 =	simm.s32 $0x0  }
0x14c: {  	v13 =	vld [tilespmem:s5+$0x2830]  }
0x14d: {  	v10 =	vshra.s32 v10, $0x14  }
0x14e: {  	v15 =	vld [tilespmem:s5+$0x3A00];
	v10 =	vcvt.s32.f32 v10  }
0x14f: {  	v16 =	vld [tilespmem:s5+$0x300C]  }
0x150: {  	v14 =	vmul.f32 v10, v9;
	v10 =	vmul.f32 v10, v11  }
0x151: {  	s10 =	simm.s32 $0x10;
	v11 =	vshra.s32 v13, $0x14  }
0x152: {  	v12 =	vand.u32 $0x7FFFFFFF, v12;
	v13 =	vsub.f32 v14, v10;
	v14 =	vld [tilespmem:s10+$0x2830];
	v11 =	vcvt.s32.f32 v11  }
0x153: {  	v8 =	vadd.f32 v12, v8;
	v12 =	vld [tilespmem:s10+$0x3A00]  }
0x154: {  	v9 =	vld [tilespmem:$0x39F0];
	v15 =	vmul.f32 v11, v15;
	v16 =	vmul.f32 v11, v16  }
0x155: {  	v11 =	vand.u32 $0x7FFFFFFF, v13;
	v13 =	vld [tilespmem:s10+$0x300C]  }
0x156: {  	s5 =	simm.s32 $0x80;
	v10 =	vld [tilespmem:$0x2FFC];
	v8 =	vadd.f32 v11, v8;
	v11 =	vimm.f32 $0.0e+00;
	v15 =	vsub.f32 v15, v16  }
.LBB2_17:
0x157: {  	s10 =	sshra.s32 s5, $0x2;
	p0 =	sne.s32 s5, $0x780;
	s5 =	sadd.s32 $0x40, s5;
	v16 =	vshra.s32 v14, $0x14  }
.Ltmp8:
0x158: {  	v14 =	vld [tilespmem:s10+$0x2830];
	v16 =	vcvt.s32.f32 v16;
	v15 =	vand.u32 $0x7FFFFFFF, v15;
	(pc) =	sbr.rel @p0 .LBB2_17-.Ltmp8, $4  }
0x159: {  	v11 =	vadd.f32 v15, v11  }
0x15a: {  	v15 =	vmul.f32 v16, v12;
	v12 =	vld [tilespmem:s10+$0x3A00];
	v16 =	vmul.f32 v16, v13  }
0x15b: {  	v13 =	vld [tilespmem:s10+$0x300C]  }
0x15c: {  	v15 =	vsub.f32 v15, v16  }
0x15d: {  	v4 =	vshra.s32 v4, $0x14  }
0x15e: {  	v16 =	vimm.f32 $1.000000000e+00;
	vm0 =	vcmask $0x2F00;
	v4 =	vcvt.s32.f32 v4  }
0x15f: {  	v16 =	vsel vm0, $0x0, v16  }
0x160: {  	v14 =	vshra.s32 v14, $0x14;
	v4 =	vmul.f32 v16, v4  }
0x161: {  	v38 =	vld [tilespmem:$0x3BF0];
	v14 =	vcvt.s32.f32 v14  }
0x162: {  	v17 =	vld [tilespmem:$0x31F0];
	v2 =	vmul.f32 v4, v2;
	v3 =	vmul.f32 v4, v3  }
0x163: {  	v39 =	vmul.f32 v14, v12  }
0x164: {  	v6 =	vmul.f32 v6, v4;
	v7 =	vmul.f32 v7, v4;
	v2 =	vsub.f32 v2, v3  }
0x165: {  	v41 =	vand.u32 $0x7FFFFFFF, v15;
	v40 =	vmul.f32 v14, v13;
	v42 =	vmul.f32 v9, v4  }
0x166: {  	v43 =	vmul.f32 v10, v4;
	v6 =	vsub.f32 v6, v7;
	v2 =	vand.u32 $0x7FFFFFFF, v2  }
0x167: {  	v46 =	vmul.f32 v38, v4;
	v4 =	vmul.f32 v17, v4;
	v1 =	vadd.f32 v2, v1  }
0x168: {  	v3 =	vsub.f32 v39, v40;
	v45 =	vsub.f32 v42, v43;
	v44 =	vand.u32 $0x7FFFFFFF, v6  }
0x169: {  	v47 =	vadd.f32 v41, v11;
	v48 =	vadd.f32 v44, v5;
	(xrf2) =	vadd.scan.msk.f32 $0xffff, v1  }
0x16a: {  	v4 =	vsub.f32 v46, v4;
	v49 =	vand.u32 $0x7FFFFFFF, v3;
	v50 =	vand.u32 $0x7FFFFFFF, v45  }
0x16b: {  	v2 =	vadd.f32 v49, v47;
	v51 =	vadd.f32 v50, v8;
	(xrf2) =	vadd.scan.msk.f32 $0xffff, v48  }
0x16c: {  	v52 =	vand.u32 $0x7FFFFFFF, v4  }
0x16d: {  	v53 =	vadd.f32 v52, v2;
	(xrf2) =	vadd.scan.msk.f32 $0xffff, v51;
	_ =	sdelay $0x1  }
0x16e: {  	(xrf2) =	vadd.scan.msk.f32 $0xffff, v53;
	_ =	sdelay $0x3  }
0x16f: {  	v54, _, _ =	vpop (xrf2)  }
0x170: {  	v1 =	vadd.f32 $0.0e+00, v54  }
0x171: {  	v56 =	vmov s7;
	v57 =	vlaneseq.u32;
	v55, _, _ =	vpop (xrf2)  }
0x172: {  	v58 =	vmov s6;
	v2 =	vbroadcast v55, $0xF;
	v1 =	vbroadcast v1, $0xF  }
0x173: {  	v60 =	vmov s8;
	vm13 =	veq.s32 v56, v57;
	vm1 =	veq.s32 v58, v57;
	v59, _, _ =	vpop (xrf2)  }
0x174: {  	v61 =	vbroadcast v59, $0xF;
	v2 =	vnsel vm1, $0x0, v2;
	v1 =	vnsel vm13, $0x0, v1  }
0x175: {  	vm14 =	veq.s32 v60, v57;
	v62, _, _ =	vpop (xrf2);
	v1 =	vadd.f32 v2, v1  }
0x176: {  	v63 =	vmov s9;
	v5 =	vnsel vm14, $0x0, v61;
	v2 =	vbroadcast v62, $0xF  }
0x177: {  	vm15 =	veq.s32 v63, v57;
	v1 =	vadd.f32 v5, v1  }
0x178: {  	p0 =	seq.s32 s4, $0x0;
	v2 =	vnsel vm15, $0x0, v2  }
0x179: {  	v0 =	vpsel !p0, $0x0, v0;
	v1 =	vadd.f32 v2, v1  }
0x17a: {  	s31 =	sshll.u32 s2, $0x5;
	[tilespmem:$0x3C10] =	vst v0  }
0x17b: {  	s5 =	simm.s32 $0x3C00;
	s4 =	sadd.s32 s31, s3;
	[tilespmem:$0x3C00] =	vst v1  }
0x17c: {  	[spmem:s4] =	stream.linear.scatter [tilespmem:s5], [sflag:$0x4], $0x20, $0x38;
	[tilespmem:$0x3E60] =	vst v63  }
0x17d: {  	s4 =	simm.s32 $0x4  }
0x17e: {  	_ =	swait.ge [sflag:s4], $0x20  }
0x17f: {  	[sflag:s4] =	ssyncset.done $0x0  }
0x180: {  	[sflag:s4] =	ssyncadd.s32 $0xFFFFFFE0  }
0x181: {  	p0 =	sne.s32 s2, $0x0;
	[bflag:$0x0] =	sbarrier.arrive $0xFFFF  }
0x182: {  	_ =	sfence.sel @p0 $0x180000  }
0x183: {  	[bflag:$0x0] =	sbarrier.arrive @p0 $0xFFFF  }
0x184: {  	_ =	strace @p0 $0x90000047  }
0x185: {  	[bflag:$0x2] =	sbarrier.arrive @p0 $0xFFFF  }
0x186: {  	_ =	shalt @p0  }
.LBB2_19:
0x187: {  	s2 =	simm.s32 $0x3C20  }
0x188: {  	[tilespmem:s2], [sflag:$0x4] =	stream.linear.gather [spmem:s3], $0x200, $0x38;
	[tilespmem:$0x3E60] =	vst v63  }
0x189: {  	_ =	swait.ge [sflag:s4], $0x200  }
0x18a: {  	[sflag:s4] =	ssyncset.done $0x0  }
0x18b: {  	[sflag:s4] =	ssyncadd.s32 $0xFFFFFE00  }
0x18c: {  	v0 =	vld [tilespmem:$0x3C30]  }
0x18d: {  	v1 =	vld [tilespmem:$0x3C50];
	_ =	sdelay $0x1  }
0x18e: {  	v2 =	vld [tilespmem:$0x3C70];
	_ =	sdelay $0x1  }
0x18f: {  	v3 =	vld [tilespmem:$0x3C90]  }
0x190: {  	v0 =	vadd.f32 v1, v0  }
0x191: {  	v34 =	vld [tilespmem:$0x3CB0]  }
0x192: {  	v0 =	vadd.f32 v2, v0  }
0x193: {  	v35 =	vld [tilespmem:$0x3CD0]  }
0x194: {  	v0 =	vadd.f32 v3, v0  }
0x195: {  	v36 =	vld [tilespmem:$0x3CF0]  }
0x196: {  	v0 =	vadd.f32 v34, v0  }
0x197: {  	v37 =	vld [tilespmem:$0x3D10]  }
0x198: {  	v0 =	vadd.f32 v35, v0  }
0x199: {  	v38 =	vld [tilespmem:$0x3D30]  }
0x19a: {  	v0 =	vadd.f32 v36, v0  }
0x19b: {  	v39 =	vld [tilespmem:$0x3D50]  }
0x19c: {  	v0 =	vadd.f32 v37, v0  }
0x19d: {  	v40 =	vld [tilespmem:$0x3D70]  }
0x19e: {  	v0 =	vadd.f32 v38, v0  }
0x19f: {  	v41 =	vld [tilespmem:$0x3D90]  }
0x1a0: {  	v0 =	vadd.f32 v39, v0  }
0x1a1: {  	v42 =	vld [tilespmem:$0x3DB0]  }
0x1a2: {  	v0 =	vadd.f32 v40, v0  }
0x1a3: {  	v43 =	vld [tilespmem:$0x3DD0]  }
0x1a4: {  	v0 =	vadd.f32 v41, v0  }
0x1a5: {  	v44 =	vld [tilespmem:$0x3DF0]  }
0x1a6: {  	v0 =	vadd.f32 v42, v0  }
0x1a7: {  	v45 =	vld [tilespmem:$0x3E10]  }
0x1a8: {  	v0 =	vadd.f32 v43, v0;
	_ =	sdelay $0x1  }
0x1a9: {  	v0 =	vadd.f32 v44, v0;
	_ =	sdelay $0x1  }
0x1aa: {  	v0 =	vadd.f32 v45, v0;
	_ =	sdelay $0x1  }
0x1ab: {  	(xrf2) =	vadd.scan.msk.f32 $0xffff, v0;
	_ =	sdelay $0x2  }
0x1ac: {  	v46 =	vld [tilespmem:$0x3C20]  }
0x1ad: {  	v47 =	vld [tilespmem:$0x3C40];
	_ =	sdelay $0x1  }
0x1ae: {  	v48 =	vld [tilespmem:$0x3C60];
	_ =	sdelay $0x1  }
0x1af: {  	v49 =	vld [tilespmem:$0x3C80]  }
0x1b0: {  	v0 =	vadd.f32 v47, v46  }
0x1b1: {  	v50 =	vld [tilespmem:$0x3CA0];
	v4, _, _ =	vpop (xrf2)  }
0x1b2: {  	v0 =	vadd.f32 v48, v0;
	(v2sf) =	vpush v4, $0xF  }
0x1b3: {  	v51 =	vld [tilespmem:$0x3CC0]  }
0x1b4: {  	v0 =	vadd.f32 v49, v0  }
0x1b5: {  	v52 =	vld [tilespmem:$0x3CE0]  }
0x1b6: {  	v0 =	vadd.f32 v50, v0  }
0x1b7: {  	v53 =	vld [tilespmem:$0x3D00]  }
0x1b8: {  	v0 =	vadd.f32 v51, v0  }
0x1b9: {  	v54 =	vld [tilespmem:$0x3D20]  }
0x1ba: {  	v0 =	vadd.f32 v52, v0  }
0x1bb: {  	v55 =	vld [tilespmem:$0x3D40]  }
0x1bc: {  	v0 =	vadd.f32 v53, v0  }
0x1bd: {  	v56 =	vld [tilespmem:$0x3D60]  }
0x1be: {  	v0 =	vadd.f32 v54, v0  }
0x1bf: {  	v57 =	vld [tilespmem:$0x3D80]  }
0x1c0: {  	v0 =	vadd.f32 v55, v0  }
0x1c1: {  	v58 =	vld [tilespmem:$0x3DA0];
	s29 =	spop (v2sf)  }
0x1c2: {  	v0 =	vadd.f32 v56, v0;
	s2 =	smax.f32 s29, $1.000000000e+00  }
0x1c3: {  	v59 =	vld [tilespmem:$0x3DC0];
	v60 =	vmov s2  }
0x1c4: {  	v0 =	vadd.f32 v57, v0;
	(erf) = vrcp.f32 v60  }
0x1c5: {  	v61 =	vld [tilespmem:$0x3DE0]  }
0x1c6: {  	v0 =	vadd.f32 v58, v0  }
0x1c7: {  	v62 =	vld [tilespmem:$0x3E00]  }
0x1c8: {  	v0 =	vadd.f32 v59, v0;
	_ =	sdelay $0x1  }
0x1c9: {  	v0 =	vadd.f32 v61, v0;
	_ =	sdelay $0x1  }
0x1ca: {  	v0 =	vadd.f32 v62, v0  }
0x1cb: {  	v63 =	vpop (erf)  }
0x1cc: {  	v0 =	vmul.f32 v63, v0;
	_ =	sdelay $0x1  }
0x1cd: {  	s30 =	simm.s32 $0x0;
	s31 =	simm.s32 $0x3E20;
	[tilespmem:$0x3E20] =	vst v0  }
0x1ce: {  	[hbm4b:s1+s30] =	stream.linear.scatter [tilespmem:s31], [sflag:$0x4], $0x8, $0x38;
	[tilespmem:$0x3E60] =	vst v63  }
0x1cf: {  	_ =	swait.ge [sflag:s4], $0x8  }
0x1d0: {  	[sflag:s4] =	ssyncset.done $0x0  }
0x1d1: {  	[sflag:s4] =	ssyncadd.s32 $0xFFFFFFF8  }
0x1d2: {  	_ =	sfence.sel $0x180000  }
0x1d3: {  	[bflag:$0x0] =	sbarrier.arrive $0xFFFF  }
0x1d4: {  	_ =	strace $0x90000047  }
0x1d5: {  	s0 =	sadd.s32 $0x100000, s0;
	[bflag:$0x2] =	sbarrier.arrive $0xFFFF  }
0x1d6: {  	[sflag:s0] =	ssyncadd.tile.s32 $0x1;
	_ =	shalt  }
.Lfunc_end2:
_tile_overlayer_lowered:
.L_overlay_start_2:
0x1d7: {  	(tag) =	ssettag $0x2  }
0x1d8: {  	s0 =	rddreg [dreg:$0x0];
	s2 =	stileid.u32  }
0x1d9: {  	s1 =	rddreg [dreg:$0x1];
	p0 =	sne.s32 s2, $0x0  }
0x1da: {  	s3 =	rddreg [dreg:$0x2];
	[bflag:$0x3] =	sbarrier.arrive $0xFFFF;
	s2 =	simm.s32 @!p0 $0x1C04  }
0x1db: {  	[timem:s3], [sflag:s2] =	dma.local @!p0 [hbm:s0], s1  }
0x1dc: {  	s0 =	simm.s32 @!p0 $0x4  }
0x1dd: {  	_ =	swait.ge @!p0 [sflag:s0], s1  }
0x1de: {  	s1 =	ssub.s32 @!p0 $0x0, s1;
	[sflag:s0] =	ssyncset.done @!p0 $0x0  }
0x1df: {  	[sflag:s0] =	ssyncadd.s32 @!p0 s1  }
0x1e0: {  	[bflag:$0x3] =	sbarrier.arrive $0xFFFF  }
0x1e1: {  	_ =	shalt  }

</sc_bundles>
